<compile_context>
chip_gen: v7x
topology: tpu7x:2x2x1
jax: 0.10.2.dev20260603
libtpu: 0.0.44.dev20260713+nightly
codegen_flags: <defaults>
</compile_context>

<pallas_src>
import functools

import jax
import jax.numpy as jnp
from jax import lax
from jax.experimental import pallas as pl
from jax.experimental.pallas import tpu as pltpu
from jax.experimental.pallas import tpu_sc as plsc

N = 10000
E = 320000
D = 128

NC = 2
NS = 16
NW = NC * NS
CHUNK = 128
CPT0 = 112
CPT1 = 48
TOT_CHUNKS = NS * (CPT0 + CPT1)
HCPT = max(CPT0, CPT1) // 2
E_PAD = TOT_CHUNKS * CHUNK
RPT = 632
NROWS = NS * RPT



def _mm_body(h_ref, w_ref, o_ref):
    o_ref[...] = jnp.dot(h_ref[...], w_ref[...],
                         preferred_element_type=jnp.float32)


def _matmul(h, W, rows_per_block=2000):
    return pl.pallas_call(
        _mm_body,
        grid=(N // rows_per_block,),
        in_specs=[
            pl.BlockSpec((rows_per_block, D), lambda i: (i, 0)),
            pl.BlockSpec((D, D), lambda i: (0, 0)),
        ],
        out_specs=pl.BlockSpec((rows_per_block, D), lambda i: (i, 0)),
        out_shape=jax.ShapeDtypeStruct((N, D), jnp.float32),
    )(h, W)


def _mid_body(p_ref, b_ref, w_ref, o_ref):
    h = jnp.maximum(p_ref[0] + p_ref[1] + b_ref[...], 0.0)
    o_ref[...] = jnp.dot(h, w_ref[...], preferred_element_type=jnp.float32)


def _mid(parts, b, W, rows_per_block=2000):
    return pl.pallas_call(
        _mid_body,
        grid=(N // rows_per_block,),
        in_specs=[
            pl.BlockSpec((2, rows_per_block, D), lambda i: (0, i, 0)),
            pl.BlockSpec((1, D), lambda i: (0, 0)),
            pl.BlockSpec((D, D), lambda i: (0, 0)),
        ],
        out_specs=pl.BlockSpec((rows_per_block, D), lambda i: (i, 0)),
        out_shape=jax.ShapeDtypeStruct((N, D), jnp.float32),
    )(parts, b, W)


def _fin_body(p_ref, b_ref, x_ref, o_ref):
    h = jnp.maximum(p_ref[0] + p_ref[1] + b_ref[...], 0.0)
    o_ref[...] = (h + x_ref[...]) * 0.5


def _fin(parts, b, x, rows_per_block=2000):
    return pl.pallas_call(
        _fin_body,
        grid=(N // rows_per_block,),
        in_specs=[
            pl.BlockSpec((2, rows_per_block, D), lambda i: (0, i, 0)),
            pl.BlockSpec((1, D), lambda i: (0, 0)),
            pl.BlockSpec((rows_per_block, D), lambda i: (i, 0)),
        ],
        out_specs=pl.BlockSpec((rows_per_block, D), lambda i: (i, 0)),
        out_shape=jax.ShapeDtypeStruct((N, D), jnp.float32),
    )(parts, b, x)



NBUF = 2


@functools.partial(
    pl.kernel,
    mesh=plsc.VectorSubcoreMesh(core_axis_name="c", subcore_axis_name="s"),
    out_type=jax.ShapeDtypeStruct((2, NROWS, D), jnp.float32),
    scratch_types=[
        pltpu.VMEM((HCPT, CHUNK), jnp.int32),
        pltpu.VMEM((HCPT, CHUNK), jnp.int32),
        pltpu.VMEM((CHUNK, D), jnp.float32),
        pltpu.VMEM((CHUNK, D), jnp.float32),
        pltpu.VMEM_SHARED((NROWS, D), jnp.float32),
        pltpu.SemaphoreType.DMA,
        pltpu.SemaphoreType.DMA,
        pltpu.SemaphoreType.DMA,
        pltpu.SemaphoreType.DMA,
    ],
)
def _sc_aggregate(src_hbm, dst_hbm, hw_hbm, z_hbm, out_hbm,
                  src_v, dst_v, rows0, rows1, agg_sh,
                  gs0, gs1, ss0, ss1):
    bufs = (rows0, rows1)
    gsems = (gs0, gs1)
    ssems = (ss0, ss1)
    cid = lax.axis_index("c")
    sid = lax.axis_index("s")

    row0 = sid * RPT
    pltpu.sync_copy(z_hbm.at[pl.ds(row0, RPT)], agg_sh.at[pl.ds(row0, RPT)])

    base = jnp.where(cid == 0, sid * CPT0, NS * CPT0 + sid * CPT1)
    half = jnp.where(cid == 0, CPT0 // 2, CPT1 // 2)
    hpairs = half // NBUF

    for h in range(2):
        off = base + h * half
        pltpu.sync_copy(src_hbm.at[pl.ds(off, HCPT)], src_v)
        pltpu.sync_copy(dst_hbm.at[pl.ds(off, HCPT)], dst_v)
        if h == 0:
            plsc.subcore_barrier()

        for b in range(NBUF):
            pltpu.async_copy(hw_hbm.at[src_v.at[b]], bufs[b], gsems[b])

        def pair(p, carry):
            for b in range(NBUF):
                k = p * NBUF + b
                pltpu.make_async_copy(hw_hbm.at[src_v.at[k]], bufs[b],
                                      gsems[b]).wait()
                pltpu.async_copy(bufs[b], agg_sh.at[dst_v.at[k]], ssems[b],
                                 add=True)
            for b in range(NBUF):
                kn = p * NBUF + b + NBUF
                pltpu.make_async_copy(bufs[b], agg_sh.at[dst_v.at[0]],
                                      ssems[b]).wait()
                pltpu.async_copy(hw_hbm.at[src_v.at[kn]], bufs[b], gsems[b])
            return carry

        lax.fori_loop(0, hpairs - 1, pair, 0)
        for b in range(NBUF):
            k = (hpairs - 1) * NBUF + b
            pltpu.make_async_copy(hw_hbm.at[src_v.at[k]], bufs[b],
                                  gsems[b]).wait()
            pltpu.async_copy(bufs[b], agg_sh.at[dst_v.at[k]], ssems[b],
                             add=True)
        for b in range(NBUF):
            pltpu.make_async_copy(bufs[b], agg_sh.at[dst_v.at[0]],
                                  ssems[b]).wait()

    plsc.subcore_barrier()
    pltpu.sync_copy(agg_sh.at[pl.ds(row0, RPT)],
                    out_hbm.at[cid, pl.ds(row0, RPT)])



def kernel(x, edge_index, W1, b1, W2, b2):
    src = edge_index[0].astype(jnp.int32)
    dst = edge_index[1].astype(jnp.int32)
    pad = E_PAD - E
    src2d = jnp.concatenate([src, jnp.zeros((pad,), jnp.int32)]).reshape(
        TOT_CHUNKS, CHUNK)
    dst2d = jnp.concatenate([dst, jnp.full((pad,), N, jnp.int32)]).reshape(
        TOT_CHUNKS, CHUNK)
    zeros = jnp.zeros((NROWS, D), jnp.float32)
    b1r = b1.reshape(1, D)
    b2r = b2.reshape(1, D)

    hw1 = _matmul(x, W1)
    parts1 = _sc_aggregate(src2d, dst2d, hw1, zeros)
    hw2 = _mid(parts1, b1r, W2)
    parts2 = _sc_aggregate(src2d, dst2d, hw2, zeros)
    return _fin(parts2, b2r, x)

# --- scband reference (transcript-rebuilt; emitter-appended) ---
"""Pipeline reference for scband-graph-conv-res-block-38852274160226 (READ-ONLY COPY).

The authoritative reference and input builder live on the scoring server;
editing this copy changes nothing except your own understanding.
"""

import jax, jax.numpy as jnp
import numpy as np

N_NODES = 10000
N_EDGES = 320000
D = 128


def setup_inputs(seed: int = 0) -> dict:
    key = jax.random.key(seed)
    k1, k2, k3, k4 = jax.random.split(key, 4)
    x = jax.random.normal(k1, (N_NODES, D), dtype=jnp.float32)
    edge_index = jax.random.randint(k2, (2, N_EDGES), 0, N_NODES, dtype=jnp.int64)
    # Glorot-ish init for the two GraphConvolution weight matrices
    W1 = jax.random.normal(k3, (D, D), dtype=jnp.float32) * (1.0 / np.sqrt(D))
    b1 = jnp.zeros((D,), dtype=jnp.float32)
    W2 = jax.random.normal(k4, (D, D), dtype=jnp.float32) * (1.0 / np.sqrt(D))
    b2 = jnp.zeros((D,), dtype=jnp.float32)
    return {"x": x, "edge_index": edge_index, "W1": W1, "b1": b1, "W2": W2, "b2": b2}


def _graph_conv(h, edge_index, W, b):
    # GraphConvolution: A_hat @ (h @ W) + b, then ReLU activation.
    # Adjacency (the 'support') is applied in sparse COO form via gather + scatter-add.
    src = edge_index[0]
    dst = edge_index[1]
    hw = h @ W                              # dense transform [N, D]
    msg = jnp.take(hw, src, axis=0)         # gather messages along edges [E, D]
    agg = jnp.zeros_like(hw).at[dst].add(msg)  # scatter-add aggregation [N, D]
    return jax.nn.relu(agg + b)


def reference(x, edge_index, W1, b1, W2, b2):
    # GraphConvResBlock.call: conv1 -> conv2 -> (out + inputs) * 0.5
    h = _graph_conv(x, edge_index, W1, b1)
    h = _graph_conv(h, edge_index, W2, b2)
    return (h + x) * 0.5

if __name__ == "__main__":
    import jax
    _d = setup_inputs()
    print(jax.jit(kernel)(*tuple(_d.values())))

</pallas_src>

<mosaic_0001>
#map = affine_map<(d0, d1) -> (0, 0)>
#map1 = affine_map<(d0, d1) -> (0, 0, 0)>
module attributes {stable_mosaic.version = 14 : i64} {
  func.func @_sc_aggregate(%arg0: i32, %arg1: i32, %arg2: memref<2560x128xi32, #tpu.memory_space<hbm>>, %arg3: memref<2560x128xi32, #tpu.memory_space<hbm>>, %arg4: memref<10000x128xf32, #tpu.memory_space<hbm>>, %arg5: memref<10112x128xf32, #tpu.memory_space<hbm>>, %arg6: memref<2x10112x128xf32, #tpu.memory_space<hbm>>, %arg7: memref<56x128xi32, #tpu.memory_space<vmem>>, %arg8: memref<56x128xi32, #tpu.memory_space<vmem>>, %arg9: memref<128x128xf32, #tpu.memory_space<vmem>>, %arg10: memref<128x128xf32, #tpu.memory_space<vmem>>, %arg11: memref<10112x128xf32, #tpu.memory_space<vmem_shared>>, %arg12: memref<!tpu.dma_semaphore, #tpu.memory_space<semaphore_mem>>, %arg13: memref<!tpu.dma_semaphore, #tpu.memory_space<semaphore_mem>>, %arg14: memref<!tpu.dma_semaphore, #tpu.memory_space<semaphore_mem>>, %arg15: memref<!tpu.dma_semaphore, #tpu.memory_space<semaphore_mem>>) attributes {dimension_semantics = [#tpu.dimension_semantics<core_parallel>, #tpu.dimension_semantics<subcore_parallel>], iteration_bounds = array<i64: 2, 16>, scalar_prefetch = 0 : i64, scratch_operands = 9 : i64, tpu.core_type = #tpu.core_type<sc_vector_subcore>, window_params = [{transform_indices = #map}, {transform_indices = #map}, {transform_indices = #map}, {transform_indices = #map}, {transform_indices = #map1}]} {
    %mul3A = arith.constant 632 : i32
    %mul3A_0 = arith.muli %arg1, %mul3A : i32
    "tpu.region"() ({
      %run_scoped3A = tpu.sem_alloc : memref<!tpu.dma_semaphore, #tpu.memory_space<semaphore_mem>>
      %dma_start3A_185 = arith.constant 0 : i32
      %dma_start3A_186 = tpu.memref_slice %arg11[%mul3A_0, %dma_start3A_185] : memref<10112x128xf32, #tpu.memory_space<vmem_shared>> -> memref<632x128xf32, #tpu.memory_space<vmem_shared>>
      %dma_start3A_187 = arith.constant 0 : i32
      %dma_start3A_188 = tpu.memref_slice %arg5[%mul3A_0, %dma_start3A_187] : memref<10112x128xf32, #tpu.memory_space<hbm>> -> memref<632x128xf32, #tpu.memory_space<hbm>>
      tpu.enqueue_dma source(%dma_start3A_188 : memref<632x128xf32, #tpu.memory_space<hbm>>) target(%dma_start3A_186 : memref<632x128xf32, #tpu.memory_space<vmem_shared>>) target_semaphore(%run_scoped3A : memref<!tpu.dma_semaphore, #tpu.memory_space<semaphore_mem>>)
      %dma_wait3A_189 = arith.constant 0 : i32
      %dma_wait3A_190 = tpu.memref_slice %arg11[%mul3A_0, %dma_wait3A_189] : memref<10112x128xf32, #tpu.memory_space<vmem_shared>> -> memref<632x128xf32, #tpu.memory_space<vmem_shared>>
      %dma_wait3A_191 = arith.constant 0 : i32
      %dma_wait3A_192 = tpu.memref_slice %arg5[%mul3A_0, %dma_wait3A_191] : memref<10112x128xf32, #tpu.memory_space<hbm>> -> memref<632x128xf32, #tpu.memory_space<hbm>>
      tpu.wait_dma2 semaphore(%run_scoped3A : memref<!tpu.dma_semaphore, #tpu.memory_space<semaphore_mem>>) src(%dma_wait3A_192 : memref<632x128xf32, #tpu.memory_space<hbm>>) dst(%dma_wait3A_190 : memref<632x128xf32, #tpu.memory_space<vmem_shared>>)
      tpu.yield
    }) : () -> ()
    %eq3A = arith.constant 0 : i32
    %eq3A_1 = arith.cmpi eq, %arg0, %eq3A : i32
    %mul3A_2 = arith.constant 112 : i32
    %mul3A_3 = arith.muli %arg1, %mul3A_2 : i32
    %mul3A_4 = arith.constant 48 : i32
    %mul3A_5 = arith.muli %arg1, %mul3A_4 : i32
    %add3A = arith.constant 1792 : i32
    %add3A_6 = arith.addi %add3A, %mul3A_5 : i32
    %select_n3A = arith.select %eq3A_1, %mul3A_3, %add3A_6 : i32
    %eq3A_7 = arith.constant 0 : i32
    %eq3A_8 = arith.cmpi eq, %arg0, %eq3A_7 : i32
    %jit3A = arith.constant 56 : i32
    %jit3A_9 = arith.constant 24 : i32
    %select_n3A_10 = arith.select %eq3A_8, %jit3A, %jit3A_9 : i32
    %jit3A_11 = arith.constant 2 : i32
    %div3A = arith.divsi %select_n3A_10, %jit3A_11 : i32
    %sign3A = arith.constant 0 : i32
    %sign3A_12 = arith.cmpi sgt, %select_n3A_10, %sign3A : i32
    %sign3A_13 = arith.extui %sign3A_12 : i1 to i32
    %sign3A_14 = arith.constant 0 : i32
    %sign3A_15 = arith.cmpi slt, %select_n3A_10, %sign3A_14 : i32
    %sign3A_16 = arith.extui %sign3A_15 : i1 to i32
    %sign3A_17 = arith.subi %sign3A_13, %sign3A_16 : i32
    %sign3A_18 = arith.constant 0 : i32
    %sign3A_19 = arith.cmpi sgt, %jit3A_11, %sign3A_18 : i32
    %sign3A_20 = arith.extui %sign3A_19 : i1 to i32
    %sign3A_21 = arith.constant 0 : i32
    %sign3A_22 = arith.cmpi slt, %jit3A_11, %sign3A_21 : i32
    %sign3A_23 = arith.extui %sign3A_22 : i1 to i32
    %sign3A_24 = arith.subi %sign3A_20, %sign3A_23 : i32
    %ne3A = arith.cmpi ne, %sign3A_17, %sign3A_24 : i32
    %rem3A = arith.remsi %select_n3A_10, %jit3A_11 : i32
    %ne3A_25 = arith.constant 0 : i32
    %ne3A_26 = arith.cmpi ne, %rem3A, %ne3A_25 : i32
    %and3A = arith.andi %ne3A, %ne3A_26 : i1
    %sub3A = arith.constant 1 : i32
    %sub3A_27 = arith.subi %div3A, %sub3A : i32
    %select_n3A_28 = arith.select %and3A, %sub3A_27, %div3A : i32
    %mul3A_29 = arith.constant 0 : i32
    %mul3A_30 = arith.muli %mul3A_29, %select_n3A_10 : i32
    %add3A_31 = arith.addi %select_n3A, %mul3A_30 : i32
    "tpu.region"() ({
      %run_scoped3A = tpu.sem_alloc : memref<!tpu.dma_semaphore, #tpu.memory_space<semaphore_mem>>
      %dma_start3A_185 = arith.constant 0 : i32
      %dma_start3A_186 = tpu.memref_slice %arg2[%add3A_31, %dma_start3A_185] : memref<2560x128xi32, #tpu.memory_space<hbm>> -> memref<56x128xi32, #tpu.memory_space<hbm>>
      %dma_start3A_187 = arith.constant 0 : i32
      %dma_start3A_188 = tpu.memref_slice %arg2[%add3A_31, %dma_start3A_187] : memref<2560x128xi32, #tpu.memory_space<hbm>> -> memref<56x128xi32, #tpu.memory_space<hbm>>
      tpu.enqueue_dma source(%dma_start3A_188 : memref<56x128xi32, #tpu.memory_space<hbm>>) target(%arg7 : memref<56x128xi32, #tpu.memory_space<vmem>>) target_semaphore(%run_scoped3A : memref<!tpu.dma_semaphore, #tpu.memory_space<semaphore_mem>>)
      %dma_wait3A_189 = arith.constant 0 : i32
      %dma_wait3A_190 = tpu.memref_slice %arg2[%add3A_31, %dma_wait3A_189] : memref<2560x128xi32, #tpu.memory_space<hbm>> -> memref<56x128xi32, #tpu.memory_space<hbm>>
      %dma_wait3A_191 = arith.constant 0 : i32
      %dma_wait3A_192 = tpu.memref_slice %arg2[%add3A_31, %dma_wait3A_191] : memref<2560x128xi32, #tpu.memory_space<hbm>> -> memref<56x128xi32, #tpu.memory_space<hbm>>
      tpu.wait_dma2 semaphore(%run_scoped3A : memref<!tpu.dma_semaphore, #tpu.memory_space<semaphore_mem>>) src(%dma_wait3A_192 : memref<56x128xi32, #tpu.memory_space<hbm>>) dst(%arg7 : memref<56x128xi32, #tpu.memory_space<vmem>>)
      tpu.yield
    }) : () -> ()
    "tpu.region"() ({
      %run_scoped3A = tpu.sem_alloc : memref<!tpu.dma_semaphore, #tpu.memory_space<semaphore_mem>>
      %dma_start3A_185 = arith.constant 0 : i32
      %dma_start3A_186 = tpu.memref_slice %arg3[%add3A_31, %dma_start3A_185] : memref<2560x128xi32, #tpu.memory_space<hbm>> -> memref<56x128xi32, #tpu.memory_space<hbm>>
      %dma_start3A_187 = arith.constant 0 : i32
      %dma_start3A_188 = tpu.memref_slice %arg3[%add3A_31, %dma_start3A_187] : memref<2560x128xi32, #tpu.memory_space<hbm>> -> memref<56x128xi32, #tpu.memory_space<hbm>>
      tpu.enqueue_dma source(%dma_start3A_188 : memref<56x128xi32, #tpu.memory_space<hbm>>) target(%arg8 : memref<56x128xi32, #tpu.memory_space<vmem>>) target_semaphore(%run_scoped3A : memref<!tpu.dma_semaphore, #tpu.memory_space<semaphore_mem>>)
      %dma_wait3A_189 = arith.constant 0 : i32
      %dma_wait3A_190 = tpu.memref_slice %arg3[%add3A_31, %dma_wait3A_189] : memref<2560x128xi32, #tpu.memory_space<hbm>> -> memref<56x128xi32, #tpu.memory_space<hbm>>
      %dma_wait3A_191 = arith.constant 0 : i32
      %dma_wait3A_192 = tpu.memref_slice %arg3[%add3A_31, %dma_wait3A_191] : memref<2560x128xi32, #tpu.memory_space<hbm>> -> memref<56x128xi32, #tpu.memory_space<hbm>>
      tpu.wait_dma2 semaphore(%run_scoped3A : memref<!tpu.dma_semaphore, #tpu.memory_space<semaphore_mem>>) src(%dma_wait3A_192 : memref<56x128xi32, #tpu.memory_space<hbm>>) dst(%arg8 : memref<56x128xi32, #tpu.memory_space<vmem>>)
      tpu.yield
    }) : () -> ()
    %barrier3A = arith.constant 0 : index
    tpu.barrier barrier_id(%barrier3A)
    %dma_start3A = arith.constant 0 : i32
    %dma_start3A_32 = arith.constant 0 : i32
    %dma_start3A_33 = tpu.memref_slice %arg7[%dma_start3A, %dma_start3A_32] : memref<56x128xi32, #tpu.memory_space<vmem>> -> memref<1x128xi32, #tpu.memory_space<vmem>>
    %dma_start3A_34 = tpu.memref_squeeze %dma_start3A_33 : memref<1x128xi32, #tpu.memory_space<vmem>> -> memref<128xi32, #tpu.memory_space<vmem>>
    %dma_start3A_35 = arith.constant 0 : i32
    %dma_start3A_36 = arith.constant 0 : i32
    %dma_start3A_37 = tpu.memref_slice %arg4[%dma_start3A_35, %dma_start3A_36] : memref<10000x128xf32, #tpu.memory_space<hbm>> -> memref<10000x128xf32, #tpu.memory_space<hbm>>
    tpu.enqueue_indirect_dma source(%dma_start3A_37 : memref<10000x128xf32, #tpu.memory_space<hbm>>) target(%arg9 : memref<128x128xf32, #tpu.memory_space<vmem>>) offsets(%dma_start3A_34 : memref<128xi32, #tpu.memory_space<vmem>>) semaphore(%arg12 : memref<!tpu.dma_semaphore, #tpu.memory_space<semaphore_mem>>)
    %dma_start3A_38 = arith.constant 1 : i32
    %dma_start3A_39 = arith.constant 0 : i32
    %dma_start3A_40 = tpu.memref_slice %arg7[%dma_start3A_38, %dma_start3A_39] : memref<56x128xi32, #tpu.memory_space<vmem>> -> memref<1x128xi32, #tpu.memory_space<vmem>>
    %dma_start3A_41 = tpu.memref_squeeze %dma_start3A_40 : memref<1x128xi32, #tpu.memory_space<vmem>> -> memref<128xi32, #tpu.memory_space<vmem>>
    %dma_start3A_42 = arith.constant 0 : i32
    %dma_start3A_43 = arith.constant 0 : i32
    %dma_start3A_44 = tpu.memref_slice %arg4[%dma_start3A_42, %dma_start3A_43] : memref<10000x128xf32, #tpu.memory_space<hbm>> -> memref<10000x128xf32, #tpu.memory_space<hbm>>
    tpu.enqueue_indirect_dma source(%dma_start3A_44 : memref<10000x128xf32, #tpu.memory_space<hbm>>) target(%arg10 : memref<128x128xf32, #tpu.memory_space<vmem>>) offsets(%dma_start3A_41 : memref<128xi32, #tpu.memory_space<vmem>>) semaphore(%arg13 : memref<!tpu.dma_semaphore, #tpu.memory_space<semaphore_mem>>)
    %sub3A_45 = arith.constant 1 : i32
    %sub3A_46 = arith.subi %select_n3A_28, %sub3A_45 : i32
    %while3A = arith.constant 0 : i32
    %while3A_47 = arith.constant 0 : i32
    %while3A_48 = arith.subi %sub3A_46, %while3A_47 : i32
    %while3A_49 = arith.addi %while3A_47, %while3A_48 : i32
    %while3A_50 = arith.constant 1 : i32
    %while3A_51 = arith.divsi %while3A_48, %while3A_50 : i32
    %while3A_52 = arith.muli %while3A_51, %while3A_50 : i32
    %while3A_53 = arith.addi %while3A_47, %while3A_52 : i32
    %while3A_54 = arith.constant 1 : i32
    scf.for %while3A_185 = %while3A_47 to %while3A_53 step %while3A_54  : i32 {
      %mul3A_186 = arith.constant 2 : i32
      %mul3A_187 = arith.muli %while3A_185, %mul3A_186 : i32
      %add3A_188 = arith.constant 0 : i32
      %add3A_189 = arith.addi %mul3A_187, %add3A_188 : i32
      %dma_wait3A_190 = arith.constant 0 : i32
      %dma_wait3A_191 = tpu.memref_slice %arg7[%add3A_189, %dma_wait3A_190] : memref<56x128xi32, #tpu.memory_space<vmem>> -> memref<1x128xi32, #tpu.memory_space<vmem>>
      %dma_wait3A_192 = tpu.memref_squeeze %dma_wait3A_191 : memref<1x128xi32, #tpu.memory_space<vmem>> -> memref<128xi32, #tpu.memory_space<vmem>>
      %dma_wait3A_193 = arith.constant 0 : i32
      %dma_wait3A_194 = arith.constant 0 : i32
      %dma_wait3A_195 = tpu.memref_slice %arg4[%dma_wait3A_193, %dma_wait3A_194] : memref<10000x128xf32, #tpu.memory_space<hbm>> -> memref<10000x128xf32, #tpu.memory_space<hbm>>
      tpu.wait_indirect_dma semaphore(%arg12 : memref<!tpu.dma_semaphore, #tpu.memory_space<semaphore_mem>>) src(%dma_wait3A_195 : memref<10000x128xf32, #tpu.memory_space<hbm>>) dst(%arg9 : memref<128x128xf32, #tpu.memory_space<vmem>>)
      %dma_start3A_196 = arith.constant 0 : i32
      %dma_start3A_197 = tpu.memref_slice %arg8[%add3A_189, %dma_start3A_196] : memref<56x128xi32, #tpu.memory_space<vmem>> -> memref<1x128xi32, #tpu.memory_space<vmem>>
      %dma_start3A_198 = tpu.memref_squeeze %dma_start3A_197 : memref<1x128xi32, #tpu.memory_space<vmem>> -> memref<128xi32, #tpu.memory_space<vmem>>
      %dma_start3A_199 = arith.constant 0 : i32
      %dma_start3A_200 = arith.constant 0 : i32
      %dma_start3A_201 = tpu.memref_slice %arg11[%dma_start3A_199, %dma_start3A_200] : memref<10112x128xf32, #tpu.memory_space<vmem_shared>> -> memref<10112x128xf32, #tpu.memory_space<vmem_shared>>
      tpu.enqueue_indirect_dma source(%arg9 : memref<128x128xf32, #tpu.memory_space<vmem>>) target(%dma_start3A_201 : memref<10112x128xf32, #tpu.memory_space<vmem_shared>>) offsets(%dma_start3A_198 : memref<128xi32, #tpu.memory_space<vmem>>) semaphore(%arg14 : memref<!tpu.dma_semaphore, #tpu.memory_space<semaphore_mem>>) {add = true}
      %mul3A_202 = arith.constant 2 : i32
      %mul3A_203 = arith.muli %while3A_185, %mul3A_202 : i32
      %add3A_204 = arith.constant 1 : i32
      %add3A_205 = arith.addi %mul3A_203, %add3A_204 : i32
      %dma_wait3A_206 = arith.constant 0 : i32
      %dma_wait3A_207 = tpu.memref_slice %arg7[%add3A_205, %dma_wait3A_206] : memref<56x128xi32, #tpu.memory_space<vmem>> -> memref<1x128xi32, #tpu.memory_space<vmem>>
      %dma_wait3A_208 = tpu.memref_squeeze %dma_wait3A_207 : memref<1x128xi32, #tpu.memory_space<vmem>> -> memref<128xi32, #tpu.memory_space<vmem>>
      %dma_wait3A_209 = arith.constant 0 : i32
      %dma_wait3A_210 = arith.constant 0 : i32
      %dma_wait3A_211 = tpu.memref_slice %arg4[%dma_wait3A_209, %dma_wait3A_210] : memref<10000x128xf32, #tpu.memory_space<hbm>> -> memref<10000x128xf32, #tpu.memory_space<hbm>>
      tpu.wait_indirect_dma semaphore(%arg13 : memref<!tpu.dma_semaphore, #tpu.memory_space<semaphore_mem>>) src(%dma_wait3A_211 : memref<10000x128xf32, #tpu.memory_space<hbm>>) dst(%arg10 : memref<128x128xf32, #tpu.memory_space<vmem>>)
      %dma_start3A_212 = arith.constant 0 : i32
      %dma_start3A_213 = tpu.memref_slice %arg8[%add3A_205, %dma_start3A_212] : memref<56x128xi32, #tpu.memory_space<vmem>> -> memref<1x128xi32, #tpu.memory_space<vmem>>
      %dma_start3A_214 = tpu.memref_squeeze %dma_start3A_213 : memref<1x128xi32, #tpu.memory_space<vmem>> -> memref<128xi32, #tpu.memory_space<vmem>>
      %dma_start3A_215 = arith.constant 0 : i32
      %dma_start3A_216 = arith.constant 0 : i32
      %dma_start3A_217 = tpu.memref_slice %arg11[%dma_start3A_215, %dma_start3A_216] : memref<10112x128xf32, #tpu.memory_space<vmem_shared>> -> memref<10112x128xf32, #tpu.memory_space<vmem_shared>>
      tpu.enqueue_indirect_dma source(%arg10 : memref<128x128xf32, #tpu.memory_space<vmem>>) target(%dma_start3A_217 : memref<10112x128xf32, #tpu.memory_space<vmem_shared>>) offsets(%dma_start3A_214 : memref<128xi32, #tpu.memory_space<vmem>>) semaphore(%arg15 : memref<!tpu.dma_semaphore, #tpu.memory_space<semaphore_mem>>) {add = true}
      %mul3A_218 = arith.constant 2 : i32
      %mul3A_219 = arith.muli %while3A_185, %mul3A_218 : i32
      %add3A_220 = arith.constant 0 : i32
      %add3A_221 = arith.addi %mul3A_219, %add3A_220 : i32
      %add3A_222 = arith.constant 2 : i32
      %add3A_223 = arith.addi %add3A_221, %add3A_222 : i32
      %dma_wait3A_224 = arith.constant 0 : i32
      %dma_wait3A_225 = arith.constant 0 : i32
      %dma_wait3A_226 = tpu.memref_slice %arg8[%dma_wait3A_224, %dma_wait3A_225] : memref<56x128xi32, #tpu.memory_space<vmem>> -> memref<1x128xi32, #tpu.memory_space<vmem>>
      %dma_wait3A_227 = tpu.memref_squeeze %dma_wait3A_226 : memref<1x128xi32, #tpu.memory_space<vmem>> -> memref<128xi32, #tpu.memory_space<vmem>>
      %dma_wait3A_228 = arith.constant 0 : i32
      %dma_wait3A_229 = arith.constant 0 : i32
      %dma_wait3A_230 = tpu.memref_slice %arg11[%dma_wait3A_228, %dma_wait3A_229] : memref<10112x128xf32, #tpu.memory_space<vmem_shared>> -> memref<10112x128xf32, #tpu.memory_space<vmem_shared>>
      tpu.wait_indirect_dma semaphore(%arg14 : memref<!tpu.dma_semaphore, #tpu.memory_space<semaphore_mem>>) src(%arg9 : memref<128x128xf32, #tpu.memory_space<vmem>>) dst(%dma_wait3A_230 : memref<10112x128xf32, #tpu.memory_space<vmem_shared>>)
      %dma_start3A_231 = arith.constant 0 : i32
      %dma_start3A_232 = tpu.memref_slice %arg7[%add3A_223, %dma_start3A_231] : memref<56x128xi32, #tpu.memory_space<vmem>> -> memref<1x128xi32, #tpu.memory_space<vmem>>
      %dma_start3A_233 = tpu.memref_squeeze %dma_start3A_232 : memref<1x128xi32, #tpu.memory_space<vmem>> -> memref<128xi32, #tpu.memory_space<vmem>>
      %dma_start3A_234 = arith.constant 0 : i32
      %dma_start3A_235 = arith.constant 0 : i32
      %dma_start3A_236 = tpu.memref_slice %arg4[%dma_start3A_234, %dma_start3A_235] : memref<10000x128xf32, #tpu.memory_space<hbm>> -> memref<10000x128xf32, #tpu.memory_space<hbm>>
      tpu.enqueue_indirect_dma source(%dma_start3A_236 : memref<10000x128xf32, #tpu.memory_space<hbm>>) target(%arg9 : memref<128x128xf32, #tpu.memory_space<vmem>>) offsets(%dma_start3A_233 : memref<128xi32, #tpu.memory_space<vmem>>) semaphore(%arg12 : memref<!tpu.dma_semaphore, #tpu.memory_space<semaphore_mem>>)
      %mul3A_237 = arith.constant 2 : i32
      %mul3A_238 = arith.muli %while3A_185, %mul3A_237 : i32
      %add3A_239 = arith.constant 1 : i32
      %add3A_240 = arith.addi %mul3A_238, %add3A_239 : i32
      %add3A_241 = arith.constant 2 : i32
      %add3A_242 = arith.addi %add3A_240, %add3A_241 : i32
      %dma_wait3A_243 = arith.constant 0 : i32
      %dma_wait3A_244 = arith.constant 0 : i32
      %dma_wait3A_245 = tpu.memref_slice %arg8[%dma_wait3A_243, %dma_wait3A_244] : memref<56x128xi32, #tpu.memory_space<vmem>> -> memref<1x128xi32, #tpu.memory_space<vmem>>
      %dma_wait3A_246 = tpu.memref_squeeze %dma_wait3A_245 : memref<1x128xi32, #tpu.memory_space<vmem>> -> memref<128xi32, #tpu.memory_space<vmem>>
      %dma_wait3A_247 = arith.constant 0 : i32
      %dma_wait3A_248 = arith.constant 0 : i32
      %dma_wait3A_249 = tpu.memref_slice %arg11[%dma_wait3A_247, %dma_wait3A_248] : memref<10112x128xf32, #tpu.memory_space<vmem_shared>> -> memref<10112x128xf32, #tpu.memory_space<vmem_shared>>
      tpu.wait_indirect_dma semaphore(%arg15 : memref<!tpu.dma_semaphore, #tpu.memory_space<semaphore_mem>>) src(%arg10 : memref<128x128xf32, #tpu.memory_space<vmem>>) dst(%dma_wait3A_249 : memref<10112x128xf32, #tpu.memory_space<vmem_shared>>)
      %dma_start3A_250 = arith.constant 0 : i32
      %dma_start3A_251 = tpu.memref_slice %arg7[%add3A_242, %dma_start3A_250] : memref<56x128xi32, #tpu.memory_space<vmem>> -> memref<1x128xi32, #tpu.memory_space<vmem>>
      %dma_start3A_252 = tpu.memref_squeeze %dma_start3A_251 : memref<1x128xi32, #tpu.memory_space<vmem>> -> memref<128xi32, #tpu.memory_space<vmem>>
      %dma_start3A_253 = arith.constant 0 : i32
      %dma_start3A_254 = arith.constant 0 : i32
      %dma_start3A_255 = tpu.memref_slice %arg4[%dma_start3A_253, %dma_start3A_254] : memref<10000x128xf32, #tpu.memory_space<hbm>> -> memref<10000x128xf32, #tpu.memory_space<hbm>>
      tpu.enqueue_indirect_dma source(%dma_start3A_255 : memref<10000x128xf32, #tpu.memory_space<hbm>>) target(%arg10 : memref<128x128xf32, #tpu.memory_space<vmem>>) offsets(%dma_start3A_252 : memref<128xi32, #tpu.memory_space<vmem>>) semaphore(%arg13 : memref<!tpu.dma_semaphore, #tpu.memory_space<semaphore_mem>>)
    }
    %while3A_55 = arith.constant 1 : i32
    scf.for %while3A_185 = %while3A_53 to %while3A_49 step %while3A_55  : i32 {
      %mul3A_186 = arith.constant 2 : i32
      %mul3A_187 = arith.muli %while3A_185, %mul3A_186 : i32
      %add3A_188 = arith.constant 0 : i32
      %add3A_189 = arith.addi %mul3A_187, %add3A_188 : i32
      %dma_wait3A_190 = arith.constant 0 : i32
      %dma_wait3A_191 = tpu.memref_slice %arg7[%add3A_189, %dma_wait3A_190] : memref<56x128xi32, #tpu.memory_space<vmem>> -> memref<1x128xi32, #tpu.memory_space<vmem>>
      %dma_wait3A_192 = tpu.memref_squeeze %dma_wait3A_191 : memref<1x128xi32, #tpu.memory_space<vmem>> -> memref<128xi32, #tpu.memory_space<vmem>>
      %dma_wait3A_193 = arith.constant 0 : i32
      %dma_wait3A_194 = arith.constant 0 : i32
      %dma_wait3A_195 = tpu.memref_slice %arg4[%dma_wait3A_193, %dma_wait3A_194] : memref<10000x128xf32, #tpu.memory_space<hbm>> -> memref<10000x128xf32, #tpu.memory_space<hbm>>
      tpu.wait_indirect_dma semaphore(%arg12 : memref<!tpu.dma_semaphore, #tpu.memory_space<semaphore_mem>>) src(%dma_wait3A_195 : memref<10000x128xf32, #tpu.memory_space<hbm>>) dst(%arg9 : memref<128x128xf32, #tpu.memory_space<vmem>>)
      %dma_start3A_196 = arith.constant 0 : i32
      %dma_start3A_197 = tpu.memref_slice %arg8[%add3A_189, %dma_start3A_196] : memref<56x128xi32, #tpu.memory_space<vmem>> -> memref<1x128xi32, #tpu.memory_space<vmem>>
      %dma_start3A_198 = tpu.memref_squeeze %dma_start3A_197 : memref<1x128xi32, #tpu.memory_space<vmem>> -> memref<128xi32, #tpu.memory_space<vmem>>
      %dma_start3A_199 = arith.constant 0 : i32
      %dma_start3A_200 = arith.constant 0 : i32
      %dma_start3A_201 = tpu.memref_slice %arg11[%dma_start3A_199, %dma_start3A_200] : memref<10112x128xf32, #tpu.memory_space<vmem_shared>> -> memref<10112x128xf32, #tpu.memory_space<vmem_shared>>
      tpu.enqueue_indirect_dma source(%arg9 : memref<128x128xf32, #tpu.memory_space<vmem>>) target(%dma_start3A_201 : memref<10112x128xf32, #tpu.memory_space<vmem_shared>>) offsets(%dma_start3A_198 : memref<128xi32, #tpu.memory_space<vmem>>) semaphore(%arg14 : memref<!tpu.dma_semaphore, #tpu.memory_space<semaphore_mem>>) {add = true}
      %mul3A_202 = arith.constant 2 : i32
      %mul3A_203 = arith.muli %while3A_185, %mul3A_202 : i32
      %add3A_204 = arith.constant 1 : i32
      %add3A_205 = arith.addi %mul3A_203, %add3A_204 : i32
      %dma_wait3A_206 = arith.constant 0 : i32
      %dma_wait3A_207 = tpu.memref_slice %arg7[%add3A_205, %dma_wait3A_206] : memref<56x128xi32, #tpu.memory_space<vmem>> -> memref<1x128xi32, #tpu.memory_space<vmem>>
      %dma_wait3A_208 = tpu.memref_squeeze %dma_wait3A_207 : memref<1x128xi32, #tpu.memory_space<vmem>> -> memref<128xi32, #tpu.memory_space<vmem>>
      %dma_wait3A_209 = arith.constant 0 : i32
      %dma_wait3A_210 = arith.constant 0 : i32
      %dma_wait3A_211 = tpu.memref_slice %arg4[%dma_wait3A_209, %dma_wait3A_210] : memref<10000x128xf32, #tpu.memory_space<hbm>> -> memref<10000x128xf32, #tpu.memory_space<hbm>>
      tpu.wait_indirect_dma semaphore(%arg13 : memref<!tpu.dma_semaphore, #tpu.memory_space<semaphore_mem>>) src(%dma_wait3A_211 : memref<10000x128xf32, #tpu.memory_space<hbm>>) dst(%arg10 : memref<128x128xf32, #tpu.memory_space<vmem>>)
      %dma_start3A_212 = arith.constant 0 : i32
      %dma_start3A_213 = tpu.memref_slice %arg8[%add3A_205, %dma_start3A_212] : memref<56x128xi32, #tpu.memory_space<vmem>> -> memref<1x128xi32, #tpu.memory_space<vmem>>
      %dma_start3A_214 = tpu.memref_squeeze %dma_start3A_213 : memref<1x128xi32, #tpu.memory_space<vmem>> -> memref<128xi32, #tpu.memory_space<vmem>>
      %dma_start3A_215 = arith.constant 0 : i32
      %dma_start3A_216 = arith.constant 0 : i32
      %dma_start3A_217 = tpu.memref_slice %arg11[%dma_start3A_215, %dma_start3A_216] : memref<10112x128xf32, #tpu.memory_space<vmem_shared>> -> memref<10112x128xf32, #tpu.memory_space<vmem_shared>>
      tpu.enqueue_indirect_dma source(%arg10 : memref<128x128xf32, #tpu.memory_space<vmem>>) target(%dma_start3A_217 : memref<10112x128xf32, #tpu.memory_space<vmem_shared>>) offsets(%dma_start3A_214 : memref<128xi32, #tpu.memory_space<vmem>>) semaphore(%arg15 : memref<!tpu.dma_semaphore, #tpu.memory_space<semaphore_mem>>) {add = true}
      %mul3A_218 = arith.constant 2 : i32
      %mul3A_219 = arith.muli %while3A_185, %mul3A_218 : i32
      %add3A_220 = arith.constant 0 : i32
      %add3A_221 = arith.addi %mul3A_219, %add3A_220 : i32
      %add3A_222 = arith.constant 2 : i32
      %add3A_223 = arith.addi %add3A_221, %add3A_222 : i32
      %dma_wait3A_224 = arith.constant 0 : i32
      %dma_wait3A_225 = arith.constant 0 : i32
      %dma_wait3A_226 = tpu.memref_slice %arg8[%dma_wait3A_224, %dma_wait3A_225] : memref<56x128xi32, #tpu.memory_space<vmem>> -> memref<1x128xi32, #tpu.memory_space<vmem>>
      %dma_wait3A_227 = tpu.memref_squeeze %dma_wait3A_226 : memref<1x128xi32, #tpu.memory_space<vmem>> -> memref<128xi32, #tpu.memory_space<vmem>>
      %dma_wait3A_228 = arith.constant 0 : i32
      %dma_wait3A_229 = arith.constant 0 : i32
      %dma_wait3A_230 = tpu.memref_slice %arg11[%dma_wait3A_228, %dma_wait3A_229] : memref<10112x128xf32, #tpu.memory_space<vmem_shared>> -> memref<10112x128xf32, #tpu.memory_space<vmem_shared>>
      tpu.wait_indirect_dma semaphore(%arg14 : memref<!tpu.dma_semaphore, #tpu.memory_space<semaphore_mem>>) src(%arg9 : memref<128x128xf32, #tpu.memory_space<vmem>>) dst(%dma_wait3A_230 : memref<10112x128xf32, #tpu.memory_space<vmem_shared>>)
      %dma_start3A_231 = arith.constant 0 : i32
      %dma_start3A_232 = tpu.memref_slice %arg7[%add3A_223, %dma_start3A_231] : memref<56x128xi32, #tpu.memory_space<vmem>> -> memref<1x128xi32, #tpu.memory_space<vmem>>
      %dma_start3A_233 = tpu.memref_squeeze %dma_start3A_232 : memref<1x128xi32, #tpu.memory_space<vmem>> -> memref<128xi32, #tpu.memory_space<vmem>>
      %dma_start3A_234 = arith.constant 0 : i32
      %dma_start3A_235 = arith.constant 0 : i32
      %dma_start3A_236 = tpu.memref_slice %arg4[%dma_start3A_234, %dma_start3A_235] : memref<10000x128xf32, #tpu.memory_space<hbm>> -> memref<10000x128xf32, #tpu.memory_space<hbm>>
      tpu.enqueue_indirect_dma source(%dma_start3A_236 : memref<10000x128xf32, #tpu.memory_space<hbm>>) target(%arg9 : memref<128x128xf32, #tpu.memory_space<vmem>>) offsets(%dma_start3A_233 : memref<128xi32, #tpu.memory_space<vmem>>) semaphore(%arg12 : memref<!tpu.dma_semaphore, #tpu.memory_space<semaphore_mem>>)
      %mul3A_237 = arith.constant 2 : i32
      %mul3A_238 = arith.muli %while3A_185, %mul3A_237 : i32
      %add3A_239 = arith.constant 1 : i32
      %add3A_240 = arith.addi %mul3A_238, %add3A_239 : i32
      %add3A_241 = arith.constant 2 : i32
      %add3A_242 = arith.addi %add3A_240, %add3A_241 : i32
      %dma_wait3A_243 = arith.constant 0 : i32
      %dma_wait3A_244 = arith.constant 0 : i32
      %dma_wait3A_245 = tpu.memref_slice %arg8[%dma_wait3A_243, %dma_wait3A_244] : memref<56x128xi32, #tpu.memory_space<vmem>> -> memref<1x128xi32, #tpu.memory_space<vmem>>
      %dma_wait3A_246 = tpu.memref_squeeze %dma_wait3A_245 : memref<1x128xi32, #tpu.memory_space<vmem>> -> memref<128xi32, #tpu.memory_space<vmem>>
      %dma_wait3A_247 = arith.constant 0 : i32
      %dma_wait3A_248 = arith.constant 0 : i32
      %dma_wait3A_249 = tpu.memref_slice %arg11[%dma_wait3A_247, %dma_wait3A_248] : memref<10112x128xf32, #tpu.memory_space<vmem_shared>> -> memref<10112x128xf32, #tpu.memory_space<vmem_shared>>
      tpu.wait_indirect_dma semaphore(%arg15 : memref<!tpu.dma_semaphore, #tpu.memory_space<semaphore_mem>>) src(%arg10 : memref<128x128xf32, #tpu.memory_space<vmem>>) dst(%dma_wait3A_249 : memref<10112x128xf32, #tpu.memory_space<vmem_shared>>)
      %dma_start3A_250 = arith.constant 0 : i32
      %dma_start3A_251 = tpu.memref_slice %arg7[%add3A_242, %dma_start3A_250] : memref<56x128xi32, #tpu.memory_space<vmem>> -> memref<1x128xi32, #tpu.memory_space<vmem>>
      %dma_start3A_252 = tpu.memref_squeeze %dma_start3A_251 : memref<1x128xi32, #tpu.memory_space<vmem>> -> memref<128xi32, #tpu.memory_space<vmem>>
      %dma_start3A_253 = arith.constant 0 : i32
      %dma_start3A_254 = arith.constant 0 : i32
      %dma_start3A_255 = tpu.memref_slice %arg4[%dma_start3A_253, %dma_start3A_254] : memref<10000x128xf32, #tpu.memory_space<hbm>> -> memref<10000x128xf32, #tpu.memory_space<hbm>>
      tpu.enqueue_indirect_dma source(%dma_start3A_255 : memref<10000x128xf32, #tpu.memory_space<hbm>>) target(%arg10 : memref<128x128xf32, #tpu.memory_space<vmem>>) offsets(%dma_start3A_252 : memref<128xi32, #tpu.memory_space<vmem>>) semaphore(%arg13 : memref<!tpu.dma_semaphore, #tpu.memory_space<semaphore_mem>>)
    }
    %sub3A_56 = arith.constant 1 : i32
    %sub3A_57 = arith.subi %select_n3A_28, %sub3A_56 : i32
    %mul3A_58 = arith.constant 2 : i32
    %mul3A_59 = arith.muli %sub3A_57, %mul3A_58 : i32
    %add3A_60 = arith.constant 0 : i32
    %add3A_61 = arith.addi %mul3A_59, %add3A_60 : i32
    %dma_wait3A = arith.constant 0 : i32
    %dma_wait3A_62 = tpu.memref_slice %arg7[%add3A_61, %dma_wait3A] : memref<56x128xi32, #tpu.memory_space<vmem>> -> memref<1x128xi32, #tpu.memory_space<vmem>>
    %dma_wait3A_63 = tpu.memref_squeeze %dma_wait3A_62 : memref<1x128xi32, #tpu.memory_space<vmem>> -> memref<128xi32, #tpu.memory_space<vmem>>
    %dma_wait3A_64 = arith.constant 0 : i32
    %dma_wait3A_65 = arith.constant 0 : i32
    %dma_wait3A_66 = tpu.memref_slice %arg4[%dma_wait3A_64, %dma_wait3A_65] : memref<10000x128xf32, #tpu.memory_space<hbm>> -> memref<10000x128xf32, #tpu.memory_space<hbm>>
    tpu.wait_indirect_dma semaphore(%arg12 : memref<!tpu.dma_semaphore, #tpu.memory_space<semaphore_mem>>) src(%dma_wait3A_66 : memref<10000x128xf32, #tpu.memory_space<hbm>>) dst(%arg9 : memref<128x128xf32, #tpu.memory_space<vmem>>)
    %dma_start3A_67 = arith.constant 0 : i32
    %dma_start3A_68 = tpu.memref_slice %arg8[%add3A_61, %dma_start3A_67] : memref<56x128xi32, #tpu.memory_space<vmem>> -> memref<1x128xi32, #tpu.memory_space<vmem>>
    %dma_start3A_69 = tpu.memref_squeeze %dma_start3A_68 : memref<1x128xi32, #tpu.memory_space<vmem>> -> memref<128xi32, #tpu.memory_space<vmem>>
    %dma_start3A_70 = arith.constant 0 : i32
    %dma_start3A_71 = arith.constant 0 : i32
    %dma_start3A_72 = tpu.memref_slice %arg11[%dma_start3A_70, %dma_start3A_71] : memref<10112x128xf32, #tpu.memory_space<vmem_shared>> -> memref<10112x128xf32, #tpu.memory_space<vmem_shared>>
    tpu.enqueue_indirect_dma source(%arg9 : memref<128x128xf32, #tpu.memory_space<vmem>>) target(%dma_start3A_72 : memref<10112x128xf32, #tpu.memory_space<vmem_shared>>) offsets(%dma_start3A_69 : memref<128xi32, #tpu.memory_space<vmem>>) semaphore(%arg14 : memref<!tpu.dma_semaphore, #tpu.memory_space<semaphore_mem>>) {add = true}
    %sub3A_73 = arith.constant 1 : i32
    %sub3A_74 = arith.subi %select_n3A_28, %sub3A_73 : i32
    %mul3A_75 = arith.constant 2 : i32
    %mul3A_76 = arith.muli %sub3A_74, %mul3A_75 : i32
    %add3A_77 = arith.constant 1 : i32
    %add3A_78 = arith.addi %mul3A_76, %add3A_77 : i32
    %dma_wait3A_79 = arith.constant 0 : i32
    %dma_wait3A_80 = tpu.memref_slice %arg7[%add3A_78, %dma_wait3A_79] : memref<56x128xi32, #tpu.memory_space<vmem>> -> memref<1x128xi32, #tpu.memory_space<vmem>>
    %dma_wait3A_81 = tpu.memref_squeeze %dma_wait3A_80 : memref<1x128xi32, #tpu.memory_space<vmem>> -> memref<128xi32, #tpu.memory_space<vmem>>
    %dma_wait3A_82 = arith.constant 0 : i32
    %dma_wait3A_83 = arith.constant 0 : i32
    %dma_wait3A_84 = tpu.memref_slice %arg4[%dma_wait3A_82, %dma_wait3A_83] : memref<10000x128xf32, #tpu.memory_space<hbm>> -> memref<10000x128xf32, #tpu.memory_space<hbm>>
    tpu.wait_indirect_dma semaphore(%arg13 : memref<!tpu.dma_semaphore, #tpu.memory_space<semaphore_mem>>) src(%dma_wait3A_84 : memref<10000x128xf32, #tpu.memory_space<hbm>>) dst(%arg10 : memref<128x128xf32, #tpu.memory_space<vmem>>)
    %dma_start3A_85 = arith.constant 0 : i32
    %dma_start3A_86 = tpu.memref_slice %arg8[%add3A_78, %dma_start3A_85] : memref<56x128xi32, #tpu.memory_space<vmem>> -> memref<1x128xi32, #tpu.memory_space<vmem>>
    %dma_start3A_87 = tpu.memref_squeeze %dma_start3A_86 : memref<1x128xi32, #tpu.memory_space<vmem>> -> memref<128xi32, #tpu.memory_space<vmem>>
    %dma_start3A_88 = arith.constant 0 : i32
    %dma_start3A_89 = arith.constant 0 : i32
    %dma_start3A_90 = tpu.memref_slice %arg11[%dma_start3A_88, %dma_start3A_89] : memref<10112x128xf32, #tpu.memory_space<vmem_shared>> -> memref<10112x128xf32, #tpu.memory_space<vmem_shared>>
    tpu.enqueue_indirect_dma source(%arg10 : memref<128x128xf32, #tpu.memory_space<vmem>>) target(%dma_start3A_90 : memref<10112x128xf32, #tpu.memory_space<vmem_shared>>) offsets(%dma_start3A_87 : memref<128xi32, #tpu.memory_space<vmem>>) semaphore(%arg15 : memref<!tpu.dma_semaphore, #tpu.memory_space<semaphore_mem>>) {add = true}
    %dma_wait3A_91 = arith.constant 0 : i32
    %dma_wait3A_92 = arith.constant 0 : i32
    %dma_wait3A_93 = tpu.memref_slice %arg8[%dma_wait3A_91, %dma_wait3A_92] : memref<56x128xi32, #tpu.memory_space<vmem>> -> memref<1x128xi32, #tpu.memory_space<vmem>>
    %dma_wait3A_94 = tpu.memref_squeeze %dma_wait3A_93 : memref<1x128xi32, #tpu.memory_space<vmem>> -> memref<128xi32, #tpu.memory_space<vmem>>
    %dma_wait3A_95 = arith.constant 0 : i32
    %dma_wait3A_96 = arith.constant 0 : i32
    %dma_wait3A_97 = tpu.memref_slice %arg11[%dma_wait3A_95, %dma_wait3A_96] : memref<10112x128xf32, #tpu.memory_space<vmem_shared>> -> memref<10112x128xf32, #tpu.memory_space<vmem_shared>>
    tpu.wait_indirect_dma semaphore(%arg14 : memref<!tpu.dma_semaphore, #tpu.memory_space<semaphore_mem>>) src(%arg9 : memref<128x128xf32, #tpu.memory_space<vmem>>) dst(%dma_wait3A_97 : memref<10112x128xf32, #tpu.memory_space<vmem_shared>>)
    %dma_wait3A_98 = arith.constant 0 : i32
    %dma_wait3A_99 = arith.constant 0 : i32
    %dma_wait3A_100 = tpu.memref_slice %arg8[%dma_wait3A_98, %dma_wait3A_99] : memref<56x128xi32, #tpu.memory_space<vmem>> -> memref<1x128xi32, #tpu.memory_space<vmem>>
    %dma_wait3A_101 = tpu.memref_squeeze %dma_wait3A_100 : memref<1x128xi32, #tpu.memory_space<vmem>> -> memref<128xi32, #tpu.memory_space<vmem>>
    %dma_wait3A_102 = arith.constant 0 : i32
    %dma_wait3A_103 = arith.constant 0 : i32
    %dma_wait3A_104 = tpu.memref_slice %arg11[%dma_wait3A_102, %dma_wait3A_103] : memref<10112x128xf32, #tpu.memory_space<vmem_shared>> -> memref<10112x128xf32, #tpu.memory_space<vmem_shared>>
    tpu.wait_indirect_dma semaphore(%arg15 : memref<!tpu.dma_semaphore, #tpu.memory_space<semaphore_mem>>) src(%arg10 : memref<128x128xf32, #tpu.memory_space<vmem>>) dst(%dma_wait3A_104 : memref<10112x128xf32, #tpu.memory_space<vmem_shared>>)
    %mul3A_105 = arith.constant 1 : i32
    %mul3A_106 = arith.muli %mul3A_105, %select_n3A_10 : i32
    %add3A_107 = arith.addi %select_n3A, %mul3A_106 : i32
    "tpu.region"() ({
      %run_scoped3A = tpu.sem_alloc : memref<!tpu.dma_semaphore, #tpu.memory_space<semaphore_mem>>
      %dma_start3A_185 = arith.constant 0 : i32
      %dma_start3A_186 = tpu.memref_slice %arg2[%add3A_107, %dma_start3A_185] : memref<2560x128xi32, #tpu.memory_space<hbm>> -> memref<56x128xi32, #tpu.memory_space<hbm>>
      %dma_start3A_187 = arith.constant 0 : i32
      %dma_start3A_188 = tpu.memref_slice %arg2[%add3A_107, %dma_start3A_187] : memref<2560x128xi32, #tpu.memory_space<hbm>> -> memref<56x128xi32, #tpu.memory_space<hbm>>
      tpu.enqueue_dma source(%dma_start3A_188 : memref<56x128xi32, #tpu.memory_space<hbm>>) target(%arg7 : memref<56x128xi32, #tpu.memory_space<vmem>>) target_semaphore(%run_scoped3A : memref<!tpu.dma_semaphore, #tpu.memory_space<semaphore_mem>>)
      %dma_wait3A_189 = arith.constant 0 : i32
      %dma_wait3A_190 = tpu.memref_slice %arg2[%add3A_107, %dma_wait3A_189] : memref<2560x128xi32, #tpu.memory_space<hbm>> -> memref<56x128xi32, #tpu.memory_space<hbm>>
      %dma_wait3A_191 = arith.constant 0 : i32
      %dma_wait3A_192 = tpu.memref_slice %arg2[%add3A_107, %dma_wait3A_191] : memref<2560x128xi32, #tpu.memory_space<hbm>> -> memref<56x128xi32, #tpu.memory_space<hbm>>
      tpu.wait_dma2 semaphore(%run_scoped3A : memref<!tpu.dma_semaphore, #tpu.memory_space<semaphore_mem>>) src(%dma_wait3A_192 : memref<56x128xi32, #tpu.memory_space<hbm>>) dst(%arg7 : memref<56x128xi32, #tpu.memory_space<vmem>>)
      tpu.yield
    }) : () -> ()
    "tpu.region"() ({
      %run_scoped3A = tpu.sem_alloc : memref<!tpu.dma_semaphore, #tpu.memory_space<semaphore_mem>>
      %dma_start3A_185 = arith.constant 0 : i32
      %dma_start3A_186 = tpu.memref_slice %arg3[%add3A_107, %dma_start3A_185] : memref<2560x128xi32, #tpu.memory_space<hbm>> -> memref<56x128xi32, #tpu.memory_space<hbm>>
      %dma_start3A_187 = arith.constant 0 : i32
      %dma_start3A_188 = tpu.memref_slice %arg3[%add3A_107, %dma_start3A_187] : memref<2560x128xi32, #tpu.memory_space<hbm>> -> memref<56x128xi32, #tpu.memory_space<hbm>>
      tpu.enqueue_dma source(%dma_start3A_188 : memref<56x128xi32, #tpu.memory_space<hbm>>) target(%arg8 : memref<56x128xi32, #tpu.memory_space<vmem>>) target_semaphore(%run_scoped3A : memref<!tpu.dma_semaphore, #tpu.memory_space<semaphore_mem>>)
      %dma_wait3A_189 = arith.constant 0 : i32
      %dma_wait3A_190 = tpu.memref_slice %arg3[%add3A_107, %dma_wait3A_189] : memref<2560x128xi32, #tpu.memory_space<hbm>> -> memref<56x128xi32, #tpu.memory_space<hbm>>
      %dma_wait3A_191 = arith.constant 0 : i32
      %dma_wait3A_192 = tpu.memref_slice %arg3[%add3A_107, %dma_wait3A_191] : memref<2560x128xi32, #tpu.memory_space<hbm>> -> memref<56x128xi32, #tpu.memory_space<hbm>>
      tpu.wait_dma2 semaphore(%run_scoped3A : memref<!tpu.dma_semaphore, #tpu.memory_space<semaphore_mem>>) src(%dma_wait3A_192 : memref<56x128xi32, #tpu.memory_space<hbm>>) dst(%arg8 : memref<56x128xi32, #tpu.memory_space<vmem>>)
      tpu.yield
    }) : () -> ()
    %dma_start3A_108 = arith.constant 0 : i32
    %dma_start3A_109 = arith.constant 0 : i32
    %dma_start3A_110 = tpu.memref_slice %arg7[%dma_start3A_108, %dma_start3A_109] : memref<56x128xi32, #tpu.memory_space<vmem>> -> memref<1x128xi32, #tpu.memory_space<vmem>>
    %dma_start3A_111 = tpu.memref_squeeze %dma_start3A_110 : memref<1x128xi32, #tpu.memory_space<vmem>> -> memref<128xi32, #tpu.memory_space<vmem>>
    %dma_start3A_112 = arith.constant 0 : i32
    %dma_start3A_113 = arith.constant 0 : i32
    %dma_start3A_114 = tpu.memref_slice %arg4[%dma_start3A_112, %dma_start3A_113] : memref<10000x128xf32, #tpu.memory_space<hbm>> -> memref<10000x128xf32, #tpu.memory_space<hbm>>
    tpu.enqueue_indirect_dma source(%dma_start3A_114 : memref<10000x128xf32, #tpu.memory_space<hbm>>) target(%arg9 : memref<128x128xf32, #tpu.memory_space<vmem>>) offsets(%dma_start3A_111 : memref<128xi32, #tpu.memory_space<vmem>>) semaphore(%arg12 : memref<!tpu.dma_semaphore, #tpu.memory_space<semaphore_mem>>)
    %dma_start3A_115 = arith.constant 1 : i32
    %dma_start3A_116 = arith.constant 0 : i32
    %dma_start3A_117 = tpu.memref_slice %arg7[%dma_start3A_115, %dma_start3A_116] : memref<56x128xi32, #tpu.memory_space<vmem>> -> memref<1x128xi32, #tpu.memory_space<vmem>>
    %dma_start3A_118 = tpu.memref_squeeze %dma_start3A_117 : memref<1x128xi32, #tpu.memory_space<vmem>> -> memref<128xi32, #tpu.memory_space<vmem>>
    %dma_start3A_119 = arith.constant 0 : i32
    %dma_start3A_120 = arith.constant 0 : i32
    %dma_start3A_121 = tpu.memref_slice %arg4[%dma_start3A_119, %dma_start3A_120] : memref<10000x128xf32, #tpu.memory_space<hbm>> -> memref<10000x128xf32, #tpu.memory_space<hbm>>
    tpu.enqueue_indirect_dma source(%dma_start3A_121 : memref<10000x128xf32, #tpu.memory_space<hbm>>) target(%arg10 : memref<128x128xf32, #tpu.memory_space<vmem>>) offsets(%dma_start3A_118 : memref<128xi32, #tpu.memory_space<vmem>>) semaphore(%arg13 : memref<!tpu.dma_semaphore, #tpu.memory_space<semaphore_mem>>)
    %sub3A_122 = arith.constant 1 : i32
    %sub3A_123 = arith.subi %select_n3A_28, %sub3A_122 : i32
    %while3A_124 = arith.constant 0 : i32
    %while3A_125 = arith.constant 0 : i32
    %while3A_126 = arith.subi %sub3A_123, %while3A_125 : i32
    %while3A_127 = arith.addi %while3A_125, %while3A_126 : i32
    %while3A_128 = arith.constant 1 : i32
    %while3A_129 = arith.divsi %while3A_126, %while3A_128 : i32
    %while3A_130 = arith.muli %while3A_129, %while3A_128 : i32
    %while3A_131 = arith.addi %while3A_125, %while3A_130 : i32
    %while3A_132 = arith.constant 1 : i32
    scf.for %while3A_185 = %while3A_125 to %while3A_131 step %while3A_132  : i32 {
      %mul3A_186 = arith.constant 2 : i32
      %mul3A_187 = arith.muli %while3A_185, %mul3A_186 : i32
      %add3A_188 = arith.constant 0 : i32
      %add3A_189 = arith.addi %mul3A_187, %add3A_188 : i32
      %dma_wait3A_190 = arith.constant 0 : i32
      %dma_wait3A_191 = tpu.memref_slice %arg7[%add3A_189, %dma_wait3A_190] : memref<56x128xi32, #tpu.memory_space<vmem>> -> memref<1x128xi32, #tpu.memory_space<vmem>>
      %dma_wait3A_192 = tpu.memref_squeeze %dma_wait3A_191 : memref<1x128xi32, #tpu.memory_space<vmem>> -> memref<128xi32, #tpu.memory_space<vmem>>
      %dma_wait3A_193 = arith.constant 0 : i32
      %dma_wait3A_194 = arith.constant 0 : i32
      %dma_wait3A_195 = tpu.memref_slice %arg4[%dma_wait3A_193, %dma_wait3A_194] : memref<10000x128xf32, #tpu.memory_space<hbm>> -> memref<10000x128xf32, #tpu.memory_space<hbm>>
      tpu.wait_indirect_dma semaphore(%arg12 : memref<!tpu.dma_semaphore, #tpu.memory_space<semaphore_mem>>) src(%dma_wait3A_195 : memref<10000x128xf32, #tpu.memory_space<hbm>>) dst(%arg9 : memref<128x128xf32, #tpu.memory_space<vmem>>)
      %dma_start3A_196 = arith.constant 0 : i32
      %dma_start3A_197 = tpu.memref_slice %arg8[%add3A_189, %dma_start3A_196] : memref<56x128xi32, #tpu.memory_space<vmem>> -> memref<1x128xi32, #tpu.memory_space<vmem>>
      %dma_start3A_198 = tpu.memref_squeeze %dma_start3A_197 : memref<1x128xi32, #tpu.memory_space<vmem>> -> memref<128xi32, #tpu.memory_space<vmem>>
      %dma_start3A_199 = arith.constant 0 : i32
      %dma_start3A_200 = arith.constant 0 : i32
      %dma_start3A_201 = tpu.memref_slice %arg11[%dma_start3A_199, %dma_start3A_200] : memref<10112x128xf32, #tpu.memory_space<vmem_shared>> -> memref<10112x128xf32, #tpu.memory_space<vmem_shared>>
      tpu.enqueue_indirect_dma source(%arg9 : memref<128x128xf32, #tpu.memory_space<vmem>>) target(%dma_start3A_201 : memref<10112x128xf32, #tpu.memory_space<vmem_shared>>) offsets(%dma_start3A_198 : memref<128xi32, #tpu.memory_space<vmem>>) semaphore(%arg14 : memref<!tpu.dma_semaphore, #tpu.memory_space<semaphore_mem>>) {add = true}
      %mul3A_202 = arith.constant 2 : i32
      %mul3A_203 = arith.muli %while3A_185, %mul3A_202 : i32
      %add3A_204 = arith.constant 1 : i32
      %add3A_205 = arith.addi %mul3A_203, %add3A_204 : i32
      %dma_wait3A_206 = arith.constant 0 : i32
      %dma_wait3A_207 = tpu.memref_slice %arg7[%add3A_205, %dma_wait3A_206] : memref<56x128xi32, #tpu.memory_space<vmem>> -> memref<1x128xi32, #tpu.memory_space<vmem>>
      %dma_wait3A_208 = tpu.memref_squeeze %dma_wait3A_207 : memref<1x128xi32, #tpu.memory_space<vmem>> -> memref<128xi32, #tpu.memory_space<vmem>>
      %dma_wait3A_209 = arith.constant 0 : i32
      %dma_wait3A_210 = arith.constant 0 : i32
      %dma_wait3A_211 = tpu.memref_slice %arg4[%dma_wait3A_209, %dma_wait3A_210] : memref<10000x128xf32, #tpu.memory_space<hbm>> -> memref<10000x128xf32, #tpu.memory_space<hbm>>
      tpu.wait_indirect_dma semaphore(%arg13 : memref<!tpu.dma_semaphore, #tpu.memory_space<semaphore_mem>>) src(%dma_wait3A_211 : memref<10000x128xf32, #tpu.memory_space<hbm>>) dst(%arg10 : memref<128x128xf32, #tpu.memory_space<vmem>>)
      %dma_start3A_212 = arith.constant 0 : i32
      %dma_start3A_213 = tpu.memref_slice %arg8[%add3A_205, %dma_start3A_212] : memref<56x128xi32, #tpu.memory_space<vmem>> -> memref<1x128xi32, #tpu.memory_space<vmem>>
      %dma_start3A_214 = tpu.memref_squeeze %dma_start3A_213 : memref<1x128xi32, #tpu.memory_space<vmem>> -> memref<128xi32, #tpu.memory_space<vmem>>
      %dma_start3A_215 = arith.constant 0 : i32
      %dma_start3A_216 = arith.constant 0 : i32
      %dma_start3A_217 = tpu.memref_slice %arg11[%dma_start3A_215, %dma_start3A_216] : memref<10112x128xf32, #tpu.memory_space<vmem_shared>> -> memref<10112x128xf32, #tpu.memory_space<vmem_shared>>
      tpu.enqueue_indirect_dma source(%arg10 : memref<128x128xf32, #tpu.memory_space<vmem>>) target(%dma_start3A_217 : memref<10112x128xf32, #tpu.memory_space<vmem_shared>>) offsets(%dma_start3A_214 : memref<128xi32, #tpu.memory_space<vmem>>) semaphore(%arg15 : memref<!tpu.dma_semaphore, #tpu.memory_space<semaphore_mem>>) {add = true}
      %mul3A_218 = arith.constant 2 : i32
      %mul3A_219 = arith.muli %while3A_185, %mul3A_218 : i32
      %add3A_220 = arith.constant 0 : i32
      %add3A_221 = arith.addi %mul3A_219, %add3A_220 : i32
      %add3A_222 = arith.constant 2 : i32
      %add3A_223 = arith.addi %add3A_221, %add3A_222 : i32
      %dma_wait3A_224 = arith.constant 0 : i32
      %dma_wait3A_225 = arith.constant 0 : i32
      %dma_wait3A_226 = tpu.memref_slice %arg8[%dma_wait3A_224, %dma_wait3A_225] : memref<56x128xi32, #tpu.memory_space<vmem>> -> memref<1x128xi32, #tpu.memory_space<vmem>>
      %dma_wait3A_227 = tpu.memref_squeeze %dma_wait3A_226 : memref<1x128xi32, #tpu.memory_space<vmem>> -> memref<128xi32, #tpu.memory_space<vmem>>
      %dma_wait3A_228 = arith.constant 0 : i32
      %dma_wait3A_229 = arith.constant 0 : i32
      %dma_wait3A_230 = tpu.memref_slice %arg11[%dma_wait3A_228, %dma_wait3A_229] : memref<10112x128xf32, #tpu.memory_space<vmem_shared>> -> memref<10112x128xf32, #tpu.memory_space<vmem_shared>>
      tpu.wait_indirect_dma semaphore(%arg14 : memref<!tpu.dma_semaphore, #tpu.memory_space<semaphore_mem>>) src(%arg9 : memref<128x128xf32, #tpu.memory_space<vmem>>) dst(%dma_wait3A_230 : memref<10112x128xf32, #tpu.memory_space<vmem_shared>>)
      %dma_start3A_231 = arith.constant 0 : i32
      %dma_start3A_232 = tpu.memref_slice %arg7[%add3A_223, %dma_start3A_231] : memref<56x128xi32, #tpu.memory_space<vmem>> -> memref<1x128xi32, #tpu.memory_space<vmem>>
      %dma_start3A_233 = tpu.memref_squeeze %dma_start3A_232 : memref<1x128xi32, #tpu.memory_space<vmem>> -> memref<128xi32, #tpu.memory_space<vmem>>
      %dma_start3A_234 = arith.constant 0 : i32
      %dma_start3A_235 = arith.constant 0 : i32
      %dma_start3A_236 = tpu.memref_slice %arg4[%dma_start3A_234, %dma_start3A_235] : memref<10000x128xf32, #tpu.memory_space<hbm>> -> memref<10000x128xf32, #tpu.memory_space<hbm>>
      tpu.enqueue_indirect_dma source(%dma_start3A_236 : memref<10000x128xf32, #tpu.memory_space<hbm>>) target(%arg9 : memref<128x128xf32, #tpu.memory_space<vmem>>) offsets(%dma_start3A_233 : memref<128xi32, #tpu.memory_space<vmem>>) semaphore(%arg12 : memref<!tpu.dma_semaphore, #tpu.memory_space<semaphore_mem>>)
      %mul3A_237 = arith.constant 2 : i32
      %mul3A_238 = arith.muli %while3A_185, %mul3A_237 : i32
      %add3A_239 = arith.constant 1 : i32
      %add3A_240 = arith.addi %mul3A_238, %add3A_239 : i32
      %add3A_241 = arith.constant 2 : i32
      %add3A_242 = arith.addi %add3A_240, %add3A_241 : i32
      %dma_wait3A_243 = arith.constant 0 : i32
      %dma_wait3A_244 = arith.constant 0 : i32
      %dma_wait3A_245 = tpu.memref_slice %arg8[%dma_wait3A_243, %dma_wait3A_244] : memref<56x128xi32, #tpu.memory_space<vmem>> -> memref<1x128xi32, #tpu.memory_space<vmem>>
      %dma_wait3A_246 = tpu.memref_squeeze %dma_wait3A_245 : memref<1x128xi32, #tpu.memory_space<vmem>> -> memref<128xi32, #tpu.memory_space<vmem>>
      %dma_wait3A_247 = arith.constant 0 : i32
      %dma_wait3A_248 = arith.constant 0 : i32
      %dma_wait3A_249 = tpu.memref_slice %arg11[%dma_wait3A_247, %dma_wait3A_248] : memref<10112x128xf32, #tpu.memory_space<vmem_shared>> -> memref<10112x128xf32, #tpu.memory_space<vmem_shared>>
      tpu.wait_indirect_dma semaphore(%arg15 : memref<!tpu.dma_semaphore, #tpu.memory_space<semaphore_mem>>) src(%arg10 : memref<128x128xf32, #tpu.memory_space<vmem>>) dst(%dma_wait3A_249 : memref<10112x128xf32, #tpu.memory_space<vmem_shared>>)
      %dma_start3A_250 = arith.constant 0 : i32
      %dma_start3A_251 = tpu.memref_slice %arg7[%add3A_242, %dma_start3A_250] : memref<56x128xi32, #tpu.memory_space<vmem>> -> memref<1x128xi32, #tpu.memory_space<vmem>>
      %dma_start3A_252 = tpu.memref_squeeze %dma_start3A_251 : memref<1x128xi32, #tpu.memory_space<vmem>> -> memref<128xi32, #tpu.memory_space<vmem>>
      %dma_start3A_253 = arith.constant 0 : i32
      %dma_start3A_254 = arith.constant 0 : i32
      %dma_start3A_255 = tpu.memref_slice %arg4[%dma_start3A_253, %dma_start3A_254] : memref<10000x128xf32, #tpu.memory_space<hbm>> -> memref<10000x128xf32, #tpu.memory_space<hbm>>
      tpu.enqueue_indirect_dma source(%dma_start3A_255 : memref<10000x128xf32, #tpu.memory_space<hbm>>) target(%arg10 : memref<128x128xf32, #tpu.memory_space<vmem>>) offsets(%dma_start3A_252 : memref<128xi32, #tpu.memory_space<vmem>>) semaphore(%arg13 : memref<!tpu.dma_semaphore, #tpu.memory_space<semaphore_mem>>)
    }
    %while3A_133 = arith.constant 1 : i32
    scf.for %while3A_185 = %while3A_131 to %while3A_127 step %while3A_133  : i32 {
      %mul3A_186 = arith.constant 2 : i32
      %mul3A_187 = arith.muli %while3A_185, %mul3A_186 : i32
      %add3A_188 = arith.constant 0 : i32
      %add3A_189 = arith.addi %mul3A_187, %add3A_188 : i32
      %dma_wait3A_190 = arith.constant 0 : i32
      %dma_wait3A_191 = tpu.memref_slice %arg7[%add3A_189, %dma_wait3A_190] : memref<56x128xi32, #tpu.memory_space<vmem>> -> memref<1x128xi32, #tpu.memory_space<vmem>>
      %dma_wait3A_192 = tpu.memref_squeeze %dma_wait3A_191 : memref<1x128xi32, #tpu.memory_space<vmem>> -> memref<128xi32, #tpu.memory_space<vmem>>
      %dma_wait3A_193 = arith.constant 0 : i32
      %dma_wait3A_194 = arith.constant 0 : i32
      %dma_wait3A_195 = tpu.memref_slice %arg4[%dma_wait3A_193, %dma_wait3A_194] : memref<10000x128xf32, #tpu.memory_space<hbm>> -> memref<10000x128xf32, #tpu.memory_space<hbm>>
      tpu.wait_indirect_dma semaphore(%arg12 : memref<!tpu.dma_semaphore, #tpu.memory_space<semaphore_mem>>) src(%dma_wait3A_195 : memref<10000x128xf32, #tpu.memory_space<hbm>>) dst(%arg9 : memref<128x128xf32, #tpu.memory_space<vmem>>)
      %dma_start3A_196 = arith.constant 0 : i32
      %dma_start3A_197 = tpu.memref_slice %arg8[%add3A_189, %dma_start3A_196] : memref<56x128xi32, #tpu.memory_space<vmem>> -> memref<1x128xi32, #tpu.memory_space<vmem>>
      %dma_start3A_198 = tpu.memref_squeeze %dma_start3A_197 : memref<1x128xi32, #tpu.memory_space<vmem>> -> memref<128xi32, #tpu.memory_space<vmem>>
      %dma_start3A_199 = arith.constant 0 : i32
      %dma_start3A_200 = arith.constant 0 : i32
      %dma_start3A_201 = tpu.memref_slice %arg11[%dma_start3A_199, %dma_start3A_200] : memref<10112x128xf32, #tpu.memory_space<vmem_shared>> -> memref<10112x128xf32, #tpu.memory_space<vmem_shared>>
      tpu.enqueue_indirect_dma source(%arg9 : memref<128x128xf32, #tpu.memory_space<vmem>>) target(%dma_start3A_201 : memref<10112x128xf32, #tpu.memory_space<vmem_shared>>) offsets(%dma_start3A_198 : memref<128xi32, #tpu.memory_space<vmem>>) semaphore(%arg14 : memref<!tpu.dma_semaphore, #tpu.memory_space<semaphore_mem>>) {add = true}
      %mul3A_202 = arith.constant 2 : i32
      %mul3A_203 = arith.muli %while3A_185, %mul3A_202 : i32
      %add3A_204 = arith.constant 1 : i32
      %add3A_205 = arith.addi %mul3A_203, %add3A_204 : i32
      %dma_wait3A_206 = arith.constant 0 : i32
      %dma_wait3A_207 = tpu.memref_slice %arg7[%add3A_205, %dma_wait3A_206] : memref<56x128xi32, #tpu.memory_space<vmem>> -> memref<1x128xi32, #tpu.memory_space<vmem>>
      %dma_wait3A_208 = tpu.memref_squeeze %dma_wait3A_207 : memref<1x128xi32, #tpu.memory_space<vmem>> -> memref<128xi32, #tpu.memory_space<vmem>>
      %dma_wait3A_209 = arith.constant 0 : i32
      %dma_wait3A_210 = arith.constant 0 : i32
      %dma_wait3A_211 = tpu.memref_slice %arg4[%dma_wait3A_209, %dma_wait3A_210] : memref<10000x128xf32, #tpu.memory_space<hbm>> -> memref<10000x128xf32, #tpu.memory_space<hbm>>
      tpu.wait_indirect_dma semaphore(%arg13 : memref<!tpu.dma_semaphore, #tpu.memory_space<semaphore_mem>>) src(%dma_wait3A_211 : memref<10000x128xf32, #tpu.memory_space<hbm>>) dst(%arg10 : memref<128x128xf32, #tpu.memory_space<vmem>>)
      %dma_start3A_212 = arith.constant 0 : i32
      %dma_start3A_213 = tpu.memref_slice %arg8[%add3A_205, %dma_start3A_212] : memref<56x128xi32, #tpu.memory_space<vmem>> -> memref<1x128xi32, #tpu.memory_space<vmem>>
      %dma_start3A_214 = tpu.memref_squeeze %dma_start3A_213 : memref<1x128xi32, #tpu.memory_space<vmem>> -> memref<128xi32, #tpu.memory_space<vmem>>
      %dma_start3A_215 = arith.constant 0 : i32
      %dma_start3A_216 = arith.constant 0 : i32
      %dma_start3A_217 = tpu.memref_slice %arg11[%dma_start3A_215, %dma_start3A_216] : memref<10112x128xf32, #tpu.memory_space<vmem_shared>> -> memref<10112x128xf32, #tpu.memory_space<vmem_shared>>
      tpu.enqueue_indirect_dma source(%arg10 : memref<128x128xf32, #tpu.memory_space<vmem>>) target(%dma_start3A_217 : memref<10112x128xf32, #tpu.memory_space<vmem_shared>>) offsets(%dma_start3A_214 : memref<128xi32, #tpu.memory_space<vmem>>) semaphore(%arg15 : memref<!tpu.dma_semaphore, #tpu.memory_space<semaphore_mem>>) {add = true}
      %mul3A_218 = arith.constant 2 : i32
      %mul3A_219 = arith.muli %while3A_185, %mul3A_218 : i32
      %add3A_220 = arith.constant 0 : i32
      %add3A_221 = arith.addi %mul3A_219, %add3A_220 : i32
      %add3A_222 = arith.constant 2 : i32
      %add3A_223 = arith.addi %add3A_221, %add3A_222 : i32
      %dma_wait3A_224 = arith.constant 0 : i32
      %dma_wait3A_225 = arith.constant 0 : i32
      %dma_wait3A_226 = tpu.memref_slice %arg8[%dma_wait3A_224, %dma_wait3A_225] : memref<56x128xi32, #tpu.memory_space<vmem>> -> memref<1x128xi32, #tpu.memory_space<vmem>>
      %dma_wait3A_227 = tpu.memref_squeeze %dma_wait3A_226 : memref<1x128xi32, #tpu.memory_space<vmem>> -> memref<128xi32, #tpu.memory_space<vmem>>
      %dma_wait3A_228 = arith.constant 0 : i32
      %dma_wait3A_229 = arith.constant 0 : i32
      %dma_wait3A_230 = tpu.memref_slice %arg11[%dma_wait3A_228, %dma_wait3A_229] : memref<10112x128xf32, #tpu.memory_space<vmem_shared>> -> memref<10112x128xf32, #tpu.memory_space<vmem_shared>>
      tpu.wait_indirect_dma semaphore(%arg14 : memref<!tpu.dma_semaphore, #tpu.memory_space<semaphore_mem>>) src(%arg9 : memref<128x128xf32, #tpu.memory_space<vmem>>) dst(%dma_wait3A_230 : memref<10112x128xf32, #tpu.memory_space<vmem_shared>>)
      %dma_start3A_231 = arith.constant 0 : i32
      %dma_start3A_232 = tpu.memref_slice %arg7[%add3A_223, %dma_start3A_231] : memref<56x128xi32, #tpu.memory_space<vmem>> -> memref<1x128xi32, #tpu.memory_space<vmem>>
      %dma_start3A_233 = tpu.memref_squeeze %dma_start3A_232 : memref<1x128xi32, #tpu.memory_space<vmem>> -> memref<128xi32, #tpu.memory_space<vmem>>
      %dma_start3A_234 = arith.constant 0 : i32
      %dma_start3A_235 = arith.constant 0 : i32
      %dma_start3A_236 = tpu.memref_slice %arg4[%dma_start3A_234, %dma_start3A_235] : memref<10000x128xf32, #tpu.memory_space<hbm>> -> memref<10000x128xf32, #tpu.memory_space<hbm>>
      tpu.enqueue_indirect_dma source(%dma_start3A_236 : memref<10000x128xf32, #tpu.memory_space<hbm>>) target(%arg9 : memref<128x128xf32, #tpu.memory_space<vmem>>) offsets(%dma_start3A_233 : memref<128xi32, #tpu.memory_space<vmem>>) semaphore(%arg12 : memref<!tpu.dma_semaphore, #tpu.memory_space<semaphore_mem>>)
      %mul3A_237 = arith.constant 2 : i32
      %mul3A_238 = arith.muli %while3A_185, %mul3A_237 : i32
      %add3A_239 = arith.constant 1 : i32
      %add3A_240 = arith.addi %mul3A_238, %add3A_239 : i32
      %add3A_241 = arith.constant 2 : i32
      %add3A_242 = arith.addi %add3A_240, %add3A_241 : i32
      %dma_wait3A_243 = arith.constant 0 : i32
      %dma_wait3A_244 = arith.constant 0 : i32
      %dma_wait3A_245 = tpu.memref_slice %arg8[%dma_wait3A_243, %dma_wait3A_244] : memref<56x128xi32, #tpu.memory_space<vmem>> -> memref<1x128xi32, #tpu.memory_space<vmem>>
      %dma_wait3A_246 = tpu.memref_squeeze %dma_wait3A_245 : memref<1x128xi32, #tpu.memory_space<vmem>> -> memref<128xi32, #tpu.memory_space<vmem>>
      %dma_wait3A_247 = arith.constant 0 : i32
      %dma_wait3A_248 = arith.constant 0 : i32
      %dma_wait3A_249 = tpu.memref_slice %arg11[%dma_wait3A_247, %dma_wait3A_248] : memref<10112x128xf32, #tpu.memory_space<vmem_shared>> -> memref<10112x128xf32, #tpu.memory_space<vmem_shared>>
      tpu.wait_indirect_dma semaphore(%arg15 : memref<!tpu.dma_semaphore, #tpu.memory_space<semaphore_mem>>) src(%arg10 : memref<128x128xf32, #tpu.memory_space<vmem>>) dst(%dma_wait3A_249 : memref<10112x128xf32, #tpu.memory_space<vmem_shared>>)
      %dma_start3A_250 = arith.constant 0 : i32
      %dma_start3A_251 = tpu.memref_slice %arg7[%add3A_242, %dma_start3A_250] : memref<56x128xi32, #tpu.memory_space<vmem>> -> memref<1x128xi32, #tpu.memory_space<vmem>>
      %dma_start3A_252 = tpu.memref_squeeze %dma_start3A_251 : memref<1x128xi32, #tpu.memory_space<vmem>> -> memref<128xi32, #tpu.memory_space<vmem>>
      %dma_start3A_253 = arith.constant 0 : i32
      %dma_start3A_254 = arith.constant 0 : i32
      %dma_start3A_255 = tpu.memref_slice %arg4[%dma_start3A_253, %dma_start3A_254] : memref<10000x128xf32, #tpu.memory_space<hbm>> -> memref<10000x128xf32, #tpu.memory_space<hbm>>
      tpu.enqueue_indirect_dma source(%dma_start3A_255 : memref<10000x128xf32, #tpu.memory_space<hbm>>) target(%arg10 : memref<128x128xf32, #tpu.memory_space<vmem>>) offsets(%dma_start3A_252 : memref<128xi32, #tpu.memory_space<vmem>>) semaphore(%arg13 : memref<!tpu.dma_semaphore, #tpu.memory_space<semaphore_mem>>)
    }
    %sub3A_134 = arith.constant 1 : i32
    %sub3A_135 = arith.subi %select_n3A_28, %sub3A_134 : i32
    %mul3A_136 = arith.constant 2 : i32
    %mul3A_137 = arith.muli %sub3A_135, %mul3A_136 : i32
    %add3A_138 = arith.constant 0 : i32
    %add3A_139 = arith.addi %mul3A_137, %add3A_138 : i32
    %dma_wait3A_140 = arith.constant 0 : i32
    %dma_wait3A_141 = tpu.memref_slice %arg7[%add3A_139, %dma_wait3A_140] : memref<56x128xi32, #tpu.memory_space<vmem>> -> memref<1x128xi32, #tpu.memory_space<vmem>>
    %dma_wait3A_142 = tpu.memref_squeeze %dma_wait3A_141 : memref<1x128xi32, #tpu.memory_space<vmem>> -> memref<128xi32, #tpu.memory_space<vmem>>
    %dma_wait3A_143 = arith.constant 0 : i32
    %dma_wait3A_144 = arith.constant 0 : i32
    %dma_wait3A_145 = tpu.memref_slice %arg4[%dma_wait3A_143, %dma_wait3A_144] : memref<10000x128xf32, #tpu.memory_space<hbm>> -> memref<10000x128xf32, #tpu.memory_space<hbm>>
    tpu.wait_indirect_dma semaphore(%arg12 : memref<!tpu.dma_semaphore, #tpu.memory_space<semaphore_mem>>) src(%dma_wait3A_145 : memref<10000x128xf32, #tpu.memory_space<hbm>>) dst(%arg9 : memref<128x128xf32, #tpu.memory_space<vmem>>)
    %dma_start3A_146 = arith.constant 0 : i32
    %dma_start3A_147 = tpu.memref_slice %arg8[%add3A_139, %dma_start3A_146] : memref<56x128xi32, #tpu.memory_space<vmem>> -> memref<1x128xi32, #tpu.memory_space<vmem>>
    %dma_start3A_148 = tpu.memref_squeeze %dma_start3A_147 : memref<1x128xi32, #tpu.memory_space<vmem>> -> memref<128xi32, #tpu.memory_space<vmem>>
    %dma_start3A_149 = arith.constant 0 : i32
    %dma_start3A_150 = arith.constant 0 : i32
    %dma_start3A_151 = tpu.memref_slice %arg11[%dma_start3A_149, %dma_start3A_150] : memref<10112x128xf32, #tpu.memory_space<vmem_shared>> -> memref<10112x128xf32, #tpu.memory_space<vmem_shared>>
    tpu.enqueue_indirect_dma source(%arg9 : memref<128x128xf32, #tpu.memory_space<vmem>>) target(%dma_start3A_151 : memref<10112x128xf32, #tpu.memory_space<vmem_shared>>) offsets(%dma_start3A_148 : memref<128xi32, #tpu.memory_space<vmem>>) semaphore(%arg14 : memref<!tpu.dma_semaphore, #tpu.memory_space<semaphore_mem>>) {add = true}
    %sub3A_152 = arith.constant 1 : i32
    %sub3A_153 = arith.subi %select_n3A_28, %sub3A_152 : i32
    %mul3A_154 = arith.constant 2 : i32
    %mul3A_155 = arith.muli %sub3A_153, %mul3A_154 : i32
    %add3A_156 = arith.constant 1 : i32
    %add3A_157 = arith.addi %mul3A_155, %add3A_156 : i32
    %dma_wait3A_158 = arith.constant 0 : i32
    %dma_wait3A_159 = tpu.memref_slice %arg7[%add3A_157, %dma_wait3A_158] : memref<56x128xi32, #tpu.memory_space<vmem>> -> memref<1x128xi32, #tpu.memory_space<vmem>>
    %dma_wait3A_160 = tpu.memref_squeeze %dma_wait3A_159 : memref<1x128xi32, #tpu.memory_space<vmem>> -> memref<128xi32, #tpu.memory_space<vmem>>
    %dma_wait3A_161 = arith.constant 0 : i32
    %dma_wait3A_162 = arith.constant 0 : i32
    %dma_wait3A_163 = tpu.memref_slice %arg4[%dma_wait3A_161, %dma_wait3A_162] : memref<10000x128xf32, #tpu.memory_space<hbm>> -> memref<10000x128xf32, #tpu.memory_space<hbm>>
    tpu.wait_indirect_dma semaphore(%arg13 : memref<!tpu.dma_semaphore, #tpu.memory_space<semaphore_mem>>) src(%dma_wait3A_163 : memref<10000x128xf32, #tpu.memory_space<hbm>>) dst(%arg10 : memref<128x128xf32, #tpu.memory_space<vmem>>)
    %dma_start3A_164 = arith.constant 0 : i32
    %dma_start3A_165 = tpu.memref_slice %arg8[%add3A_157, %dma_start3A_164] : memref<56x128xi32, #tpu.memory_space<vmem>> -> memref<1x128xi32, #tpu.memory_space<vmem>>
    %dma_start3A_166 = tpu.memref_squeeze %dma_start3A_165 : memref<1x128xi32, #tpu.memory_space<vmem>> -> memref<128xi32, #tpu.memory_space<vmem>>
    %dma_start3A_167 = arith.constant 0 : i32
    %dma_start3A_168 = arith.constant 0 : i32
    %dma_start3A_169 = tpu.memref_slice %arg11[%dma_start3A_167, %dma_start3A_168] : memref<10112x128xf32, #tpu.memory_space<vmem_shared>> -> memref<10112x128xf32, #tpu.memory_space<vmem_shared>>
    tpu.enqueue_indirect_dma source(%arg10 : memref<128x128xf32, #tpu.memory_space<vmem>>) target(%dma_start3A_169 : memref<10112x128xf32, #tpu.memory_space<vmem_shared>>) offsets(%dma_start3A_166 : memref<128xi32, #tpu.memory_space<vmem>>) semaphore(%arg15 : memref<!tpu.dma_semaphore, #tpu.memory_space<semaphore_mem>>) {add = true}
    %dma_wait3A_170 = arith.constant 0 : i32
    %dma_wait3A_171 = arith.constant 0 : i32
    %dma_wait3A_172 = tpu.memref_slice %arg8[%dma_wait3A_170, %dma_wait3A_171] : memref<56x128xi32, #tpu.memory_space<vmem>> -> memref<1x128xi32, #tpu.memory_space<vmem>>
    %dma_wait3A_173 = tpu.memref_squeeze %dma_wait3A_172 : memref<1x128xi32, #tpu.memory_space<vmem>> -> memref<128xi32, #tpu.memory_space<vmem>>
    %dma_wait3A_174 = arith.constant 0 : i32
    %dma_wait3A_175 = arith.constant 0 : i32
    %dma_wait3A_176 = tpu.memref_slice %arg11[%dma_wait3A_174, %dma_wait3A_175] : memref<10112x128xf32, #tpu.memory_space<vmem_shared>> -> memref<10112x128xf32, #tpu.memory_space<vmem_shared>>
    tpu.wait_indirect_dma semaphore(%arg14 : memref<!tpu.dma_semaphore, #tpu.memory_space<semaphore_mem>>) src(%arg9 : memref<128x128xf32, #tpu.memory_space<vmem>>) dst(%dma_wait3A_176 : memref<10112x128xf32, #tpu.memory_space<vmem_shared>>)
    %dma_wait3A_177 = arith.constant 0 : i32
    %dma_wait3A_178 = arith.constant 0 : i32
    %dma_wait3A_179 = tpu.memref_slice %arg8[%dma_wait3A_177, %dma_wait3A_178] : memref<56x128xi32, #tpu.memory_space<vmem>> -> memref<1x128xi32, #tpu.memory_space<vmem>>
    %dma_wait3A_180 = tpu.memref_squeeze %dma_wait3A_179 : memref<1x128xi32, #tpu.memory_space<vmem>> -> memref<128xi32, #tpu.memory_space<vmem>>
    %dma_wait3A_181 = arith.constant 0 : i32
    %dma_wait3A_182 = arith.constant 0 : i32
    %dma_wait3A_183 = tpu.memref_slice %arg11[%dma_wait3A_181, %dma_wait3A_182] : memref<10112x128xf32, #tpu.memory_space<vmem_shared>> -> memref<10112x128xf32, #tpu.memory_space<vmem_shared>>
    tpu.wait_indirect_dma semaphore(%arg15 : memref<!tpu.dma_semaphore, #tpu.memory_space<semaphore_mem>>) src(%arg10 : memref<128x128xf32, #tpu.memory_space<vmem>>) dst(%dma_wait3A_183 : memref<10112x128xf32, #tpu.memory_space<vmem_shared>>)
    %barrier3A_184 = arith.constant 0 : index
    tpu.barrier barrier_id(%barrier3A_184)
    "tpu.region"() ({
      %run_scoped3A = tpu.sem_alloc : memref<!tpu.dma_semaphore, #tpu.memory_space<semaphore_mem>>
      %dma_start3A_185 = arith.constant 0 : i32
      %dma_start3A_186 = tpu.memref_slice %arg6[%arg0, %mul3A_0, %dma_start3A_185] : memref<2x10112x128xf32, #tpu.memory_space<hbm>> -> memref<1x632x128xf32, #tpu.memory_space<hbm>>
      %dma_start3A_187 = tpu.memref_squeeze %dma_start3A_186 : memref<1x632x128xf32, #tpu.memory_space<hbm>> -> memref<632x128xf32, #tpu.memory_space<hbm>>
      %dma_start3A_188 = arith.constant 0 : i32
      %dma_start3A_189 = tpu.memref_slice %arg11[%mul3A_0, %dma_start3A_188] : memref<10112x128xf32, #tpu.memory_space<vmem_shared>> -> memref<632x128xf32, #tpu.memory_space<vmem_shared>>
      tpu.enqueue_dma source(%dma_start3A_189 : memref<632x128xf32, #tpu.memory_space<vmem_shared>>) target(%dma_start3A_187 : memref<632x128xf32, #tpu.memory_space<hbm>>) target_semaphore(%run_scoped3A : memref<!tpu.dma_semaphore, #tpu.memory_space<semaphore_mem>>)
      %dma_wait3A_190 = arith.constant 0 : i32
      %dma_wait3A_191 = tpu.memref_slice %arg6[%arg0, %mul3A_0, %dma_wait3A_190] : memref<2x10112x128xf32, #tpu.memory_space<hbm>> -> memref<1x632x128xf32, #tpu.memory_space<hbm>>
      %dma_wait3A_192 = tpu.memref_squeeze %dma_wait3A_191 : memref<1x632x128xf32, #tpu.memory_space<hbm>> -> memref<632x128xf32, #tpu.memory_space<hbm>>
      %dma_wait3A_193 = arith.constant 0 : i32
      %dma_wait3A_194 = tpu.memref_slice %arg11[%mul3A_0, %dma_wait3A_193] : memref<10112x128xf32, #tpu.memory_space<vmem_shared>> -> memref<632x128xf32, #tpu.memory_space<vmem_shared>>
      tpu.wait_dma2 semaphore(%run_scoped3A : memref<!tpu.dma_semaphore, #tpu.memory_space<semaphore_mem>>) src(%dma_wait3A_194 : memref<632x128xf32, #tpu.memory_space<vmem_shared>>) dst(%dma_wait3A_192 : memref<632x128xf32, #tpu.memory_space<hbm>>)
      tpu.yield
    }) : () -> ()
    return
  }
}

#map = affine_map<(d0, d1) -> (0, 0)>
#map1 = affine_map<(d0, d1) -> (0, 0, 0)>
module attributes {stable_mosaic.version = 14 : i64} {
  func.func @_sc_aggregate(%arg0: i32, %arg1: i32, %arg2: memref<2560x128xi32, #tpu.memory_space<hbm>>, %arg3: memref<2560x128xi32, #tpu.memory_space<hbm>>, %arg4: memref<10000x128xf32, #tpu.memory_space<hbm>>, %arg5: memref<10112x128xf32, #tpu.memory_space<hbm>>, %arg6: memref<2x10112x128xf32, #tpu.memory_space<hbm>>, %arg7: memref<56x128xi32, #tpu.memory_space<vmem>>, %arg8: memref<56x128xi32, #tpu.memory_space<vmem>>, %arg9: memref<128x128xf32, #tpu.memory_space<vmem>>, %arg10: memref<128x128xf32, #tpu.memory_space<vmem>>, %arg11: memref<10112x128xf32, #tpu.memory_space<vmem_shared>>, %arg12: memref<!tpu.dma_semaphore, #tpu.memory_space<semaphore_mem>>, %arg13: memref<!tpu.dma_semaphore, #tpu.memory_space<semaphore_mem>>, %arg14: memref<!tpu.dma_semaphore, #tpu.memory_space<semaphore_mem>>, %arg15: memref<!tpu.dma_semaphore, #tpu.memory_space<semaphore_mem>>) attributes {dimension_semantics = [#tpu.dimension_semantics<core_parallel>, #tpu.dimension_semantics<subcore_parallel>], iteration_bounds = array<i64: 2, 16>, scalar_prefetch = 0 : i64, scratch_operands = 9 : i64, tpu.core_type = #tpu.core_type<sc_vector_subcore>, window_params = [{transform_indices = #map}, {transform_indices = #map}, {transform_indices = #map}, {transform_indices = #map}, {transform_indices = #map1}]} {
    %mul3A = arith.constant 632 : i32
    %mul3A_0 = arith.muli %arg1, %mul3A : i32
    "tpu.region"() ({
      %run_scoped3A = tpu.sem_alloc : memref<!tpu.dma_semaphore, #tpu.memory_space<semaphore_mem>>
      %dma_start3A_185 = arith.constant 0 : i32
      %dma_start3A_186 = tpu.memref_slice %arg11[%mul3A_0, %dma_start3A_185] : memref<10112x128xf32, #tpu.memory_space<vmem_shared>> -> memref<632x128xf32, #tpu.memory_space<vmem_shared>>
      %dma_start3A_187 = arith.constant 0 : i32
      %dma_start3A_188 = tpu.memref_slice %arg5[%mul3A_0, %dma_start3A_187] : memref<10112x128xf32, #tpu.memory_space<hbm>> -> memref<632x128xf32, #tpu.memory_space<hbm>>
      tpu.enqueue_dma source(%dma_start3A_188 : memref<632x128xf32, #tpu.memory_space<hbm>>) target(%dma_start3A_186 : memref<632x128xf32, #tpu.memory_space<vmem_shared>>) target_semaphore(%run_scoped3A : memref<!tpu.dma_semaphore, #tpu.memory_space<semaphore_mem>>)
      %dma_wait3A_189 = arith.constant 0 : i32
      %dma_wait3A_190 = tpu.memref_slice %arg11[%mul3A_0, %dma_wait3A_189] : memref<10112x128xf32, #tpu.memory_space<vmem_shared>> -> memref<632x128xf32, #tpu.memory_space<vmem_shared>>
      %dma_wait3A_191 = arith.constant 0 : i32
      %dma_wait3A_192 = tpu.memref_slice %arg5[%mul3A_0, %dma_wait3A_191] : memref<10112x128xf32, #tpu.memory_space<hbm>> -> memref<632x128xf32, #tpu.memory_space<hbm>>
      tpu.wait_dma2 semaphore(%run_scoped3A : memref<!tpu.dma_semaphore, #tpu.memory_space<semaphore_mem>>) src(%dma_wait3A_192 : memref<632x128xf32, #tpu.memory_space<hbm>>) dst(%dma_wait3A_190 : memref<632x128xf32, #tpu.memory_space<vmem_shared>>)
      tpu.yield
    }) : () -> ()
    %eq3A = arith.constant 0 : i32
    %eq3A_1 = arith.cmpi eq, %arg0, %eq3A : i32
    %mul3A_2 = arith.constant 112 : i32
    %mul3A_3 = arith.muli %arg1, %mul3A_2 : i32
    %mul3A_4 = arith.constant 48 : i32
    %mul3A_5 = arith.muli %arg1, %mul3A_4 : i32
    %add3A = arith.constant 1792 : i32
    %add3A_6 = arith.addi %add3A, %mul3A_5 : i32
    %select_n3A = arith.select %eq3A_1, %mul3A_3, %add3A_6 : i32
    %eq3A_7 = arith.constant 0 : i32
    %eq3A_8 = arith.cmpi eq, %arg0, %eq3A_7 : i32
    %jit3A = arith.constant 56 : i32
    %jit3A_9 = arith.constant 24 : i32
    %select_n3A_10 = arith.select %eq3A_8, %jit3A, %jit3A_9 : i32
    %jit3A_11 = arith.constant 2 : i32
    %div3A = arith.divsi %select_n3A_10, %jit3A_11 : i32
    %sign3A = arith.constant 0 : i32
    %sign3A_12 = arith.cmpi sgt, %select_n3A_10, %sign3A : i32
    %sign3A_13 = arith.extui %sign3A_12 : i1 to i32
    %sign3A_14 = arith.constant 0 : i32
    %sign3A_15 = arith.cmpi slt, %select_n3A_10, %sign3A_14 : i32
    %sign3A_16 = arith.extui %sign3A_15 : i1 to i32
    %sign3A_17 = arith.subi %sign3A_13, %sign3A_16 : i32
    %sign3A_18 = arith.constant 0 : i32
    %sign3A_19 = arith.cmpi sgt, %jit3A_11, %sign3A_18 : i32
    %sign3A_20 = arith.extui %sign3A_19 : i1 to i32
    %sign3A_21 = arith.constant 0 : i32
    %sign3A_22 = arith.cmpi slt, %jit3A_11, %sign3A_21 : i32
    %sign3A_23 = arith.extui %sign3A_22 : i1 to i32
    %sign3A_24 = arith.subi %sign3A_20, %sign3A_23 : i32
    %ne3A = arith.cmpi ne, %sign3A_17, %sign3A_24 : i32
    %rem3A = arith.remsi %select_n3A_10, %jit3A_11 : i32
    %ne3A_25 = arith.constant 0 : i32
    %ne3A_26 = arith.cmpi ne, %rem3A, %ne3A_25 : i32
    %and3A = arith.andi %ne3A, %ne3A_26 : i1
    %sub3A = arith.constant 1 : i32
    %sub3A_27 = arith.subi %div3A, %sub3A : i32
    %select_n3A_28 = arith.select %and3A, %sub3A_27, %div3A : i32
    %mul3A_29 = arith.constant 0 : i32
    %mul3A_30 = arith.muli %mul3A_29, %select_n3A_10 : i32
    %add3A_31 = arith.addi %select_n3A, %mul3A_30 : i32
    "tpu.region"() ({
      %run_scoped3A = tpu.sem_alloc : memref<!tpu.dma_semaphore, #tpu.memory_space<semaphore_mem>>
      %dma_start3A_185 = arith.constant 0 : i32
      %dma_start3A_186 = tpu.memref_slice %arg2[%add3A_31, %dma_start3A_185] : memref<2560x128xi32, #tpu.memory_space<hbm>> -> memref<56x128xi32, #tpu.memory_space<hbm>>
      %dma_start3A_187 = arith.constant 0 : i32
      %dma_start3A_188 = tpu.memref_slice %arg2[%add3A_31, %dma_start3A_187] : memref<2560x128xi32, #tpu.memory_space<hbm>> -> memref<56x128xi32, #tpu.memory_space<hbm>>
      tpu.enqueue_dma source(%dma_start3A_188 : memref<56x128xi32, #tpu.memory_space<hbm>>) target(%arg7 : memref<56x128xi32, #tpu.memory_space<vmem>>) target_semaphore(%run_scoped3A : memref<!tpu.dma_semaphore, #tpu.memory_space<semaphore_mem>>)
      %dma_wait3A_189 = arith.constant 0 : i32
      %dma_wait3A_190 = tpu.memref_slice %arg2[%add3A_31, %dma_wait3A_189] : memref<2560x128xi32, #tpu.memory_space<hbm>> -> memref<56x128xi32, #tpu.memory_space<hbm>>
      %dma_wait3A_191 = arith.constant 0 : i32
      %dma_wait3A_192 = tpu.memref_slice %arg2[%add3A_31, %dma_wait3A_191] : memref<2560x128xi32, #tpu.memory_space<hbm>> -> memref<56x128xi32, #tpu.memory_space<hbm>>
      tpu.wait_dma2 semaphore(%run_scoped3A : memref<!tpu.dma_semaphore, #tpu.memory_space<semaphore_mem>>) src(%dma_wait3A_192 : memref<56x128xi32, #tpu.memory_space<hbm>>) dst(%arg7 : memref<56x128xi32, #tpu.memory_space<vmem>>)
      tpu.yield
    }) : () -> ()
    "tpu.region"() ({
      %run_scoped3A = tpu.sem_alloc : memref<!tpu.dma_semaphore, #tpu.memory_space<semaphore_mem>>
      %dma_start3A_185 = arith.constant 0 : i32
      %dma_start3A_186 = tpu.memref_slice %arg3[%add3A_31, %dma_start3A_185] : memref<2560x128xi32, #tpu.memory_space<hbm>> -> memref<56x128xi32, #tpu.memory_space<hbm>>
      %dma_start3A_187 = arith.constant 0 : i32
      %dma_start3A_188 = tpu.memref_slice %arg3[%add3A_31, %dma_start3A_187] : memref<2560x128xi32, #tpu.memory_space<hbm>> -> memref<56x128xi32, #tpu.memory_space<hbm>>
      tpu.enqueue_dma source(%dma_start3A_188 : memref<56x128xi32, #tpu.memory_space<hbm>>) target(%arg8 : memref<56x128xi32, #tpu.memory_space<vmem>>) target_semaphore(%run_scoped3A : memref<!tpu.dma_semaphore, #tpu.memory_space<semaphore_mem>>)
      %dma_wait3A_189 = arith.constant 0 : i32
      %dma_wait3A_190 = tpu.memref_slice %arg3[%add3A_31, %dma_wait3A_189] : memref<2560x128xi32, #tpu.memory_space<hbm>> -> memref<56x128xi32, #tpu.memory_space<hbm>>
      %dma_wait3A_191 = arith.constant 0 : i32
      %dma_wait3A_192 = tpu.memref_slice %arg3[%add3A_31, %dma_wait3A_191] : memref<2560x128xi32, #tpu.memory_space<hbm>> -> memref<56x128xi32, #tpu.memory_space<hbm>>
      tpu.wait_dma2 semaphore(%run_scoped3A : memref<!tpu.dma_semaphore, #tpu.memory_space<semaphore_mem>>) src(%dma_wait3A_192 : memref<56x128xi32, #tpu.memory_space<hbm>>) dst(%arg8 : memref<56x128xi32, #tpu.memory_space<vmem>>)
      tpu.yield
    }) : () -> ()
    %barrier3A = arith.constant 0 : index
    tpu.barrier barrier_id(%barrier3A)
    %dma_start3A = arith.constant 0 : i32
    %dma_start3A_32 = arith.constant 0 : i32
    %dma_start3A_33 = tpu.memref_slice %arg7[%dma_start3A, %dma_start3A_32] : memref<56x128xi32, #tpu.memory_space<vmem>> -> memref<1x128xi32, #tpu.memory_space<vmem>>
    %dma_start3A_34 = tpu.memref_squeeze %dma_start3A_33 : memref<1x128xi32, #tpu.memory_space<vmem>> -> memref<128xi32, #tpu.memory_space<vmem>>
    %dma_start3A_35 = arith.constant 0 : i32
    %dma_start3A_36 = arith.constant 0 : i32
    %dma_start3A_37 = tpu.memref_slice %arg4[%dma_start3A_35, %dma_start3A_36] : memref<10000x128xf32, #tpu.memory_space<hbm>> -> memref<10000x128xf32, #tpu.memory_space<hbm>>
    tpu.enqueue_indirect_dma source(%dma_start3A_37 : memref<10000x128xf32, #tpu.memory_space<hbm>>) target(%arg9 : memref<128x128xf32, #tpu.memory_space<vmem>>) offsets(%dma_start3A_34 : memref<128xi32, #tpu.memory_space<vmem>>) semaphore(%arg12 : memref<!tpu.dma_semaphore, #tpu.memory_space<semaphore_mem>>)
    %dma_start3A_38 = arith.constant 1 : i32
    %dma_start3A_39 = arith.constant 0 : i32
    %dma_start3A_40 = tpu.memref_slice %arg7[%dma_start3A_38, %dma_start3A_39] : memref<56x128xi32, #tpu.memory_space<vmem>> -> memref<1x128xi32, #tpu.memory_space<vmem>>
    %dma_start3A_41 = tpu.memref_squeeze %dma_start3A_40 : memref<1x128xi32, #tpu.memory_space<vmem>> -> memref<128xi32, #tpu.memory_space<vmem>>
    %dma_start3A_42 = arith.constant 0 : i32
    %dma_start3A_43 = arith.constant 0 : i32
    %dma_start3A_44 = tpu.memref_slice %arg4[%dma_start3A_42, %dma_start3A_43] : memref<10000x128xf32, #tpu.memory_space<hbm>> -> memref<10000x128xf32, #tpu.memory_space<hbm>>
    tpu.enqueue_indirect_dma source(%dma_start3A_44 : memref<10000x128xf32, #tpu.memory_space<hbm>>) target(%arg10 : memref<128x128xf32, #tpu.memory_space<vmem>>) offsets(%dma_start3A_41 : memref<128xi32, #tpu.memory_space<vmem>>) semaphore(%arg13 : memref<!tpu.dma_semaphore, #tpu.memory_space<semaphore_mem>>)
    %sub3A_45 = arith.constant 1 : i32
    %sub3A_46 = arith.subi %select_n3A_28, %sub3A_45 : i32
    %while3A = arith.constant 0 : i32
    %while3A_47 = arith.constant 0 : i32
    %while3A_48 = arith.subi %sub3A_46, %while3A_47 : i32
    %while3A_49 = arith.addi %while3A_47, %while3A_48 : i32
    %while3A_50 = arith.constant 1 : i32
    %while3A_51 = arith.divsi %while3A_48, %while3A_50 : i32
    %while3A_52 = arith.muli %while3A_51, %while3A_50 : i32
    %while3A_53 = arith.addi %while3A_47, %while3A_52 : i32
    %while3A_54 = arith.constant 1 : i32
    scf.for %while3A_185 = %while3A_47 to %while3A_53 step %while3A_54  : i32 {
      %mul3A_186 = arith.constant 2 : i32
      %mul3A_187 = arith.muli %while3A_185, %mul3A_186 : i32
      %add3A_188 = arith.constant 0 : i32
      %add3A_189 = arith.addi %mul3A_187, %add3A_188 : i32
      %dma_wait3A_190 = arith.constant 0 : i32
      %dma_wait3A_191 = tpu.memref_slice %arg7[%add3A_189, %dma_wait3A_190] : memref<56x128xi32, #tpu.memory_space<vmem>> -> memref<1x128xi32, #tpu.memory_space<vmem>>
      %dma_wait3A_192 = tpu.memref_squeeze %dma_wait3A_191 : memref<1x128xi32, #tpu.memory_space<vmem>> -> memref<128xi32, #tpu.memory_space<vmem>>
      %dma_wait3A_193 = arith.constant 0 : i32
      %dma_wait3A_194 = arith.constant 0 : i32
      %dma_wait3A_195 = tpu.memref_slice %arg4[%dma_wait3A_193, %dma_wait3A_194] : memref<10000x128xf32, #tpu.memory_space<hbm>> -> memref<10000x128xf32, #tpu.memory_space<hbm>>
      tpu.wait_indirect_dma semaphore(%arg12 : memref<!tpu.dma_semaphore, #tpu.memory_space<semaphore_mem>>) src(%dma_wait3A_195 : memref<10000x128xf32, #tpu.memory_space<hbm>>) dst(%arg9 : memref<128x128xf32, #tpu.memory_space<vmem>>)
      %dma_start3A_196 = arith.constant 0 : i32
      %dma_start3A_197 = tpu.memref_slice %arg8[%add3A_189, %dma_start3A_196] : memref<56x128xi32, #tpu.memory_space<vmem>> -> memref<1x128xi32, #tpu.memory_space<vmem>>
      %dma_start3A_198 = tpu.memref_squeeze %dma_start3A_197 : memref<1x128xi32, #tpu.memory_space<vmem>> -> memref<128xi32, #tpu.memory_space<vmem>>
      %dma_start3A_199 = arith.constant 0 : i32
      %dma_start3A_200 = arith.constant 0 : i32
      %dma_start3A_201 = tpu.memref_slice %arg11[%dma_start3A_199, %dma_start3A_200] : memref<10112x128xf32, #tpu.memory_space<vmem_shared>> -> memref<10112x128xf32, #tpu.memory_space<vmem_shared>>
      tpu.enqueue_indirect_dma source(%arg9 : memref<128x128xf32, #tpu.memory_space<vmem>>) target(%dma_start3A_201 : memref<10112x128xf32, #tpu.memory_space<vmem_shared>>) offsets(%dma_start3A_198 : memref<128xi32, #tpu.memory_space<vmem>>) semaphore(%arg14 : memref<!tpu.dma_semaphore, #tpu.memory_space<semaphore_mem>>) {add = true}
      %mul3A_202 = arith.constant 2 : i32
      %mul3A_203 = arith.muli %while3A_185, %mul3A_202 : i32
      %add3A_204 = arith.constant 1 : i32
      %add3A_205 = arith.addi %mul3A_203, %add3A_204 : i32
      %dma_wait3A_206 = arith.constant 0 : i32
      %dma_wait3A_207 = tpu.memref_slice %arg7[%add3A_205, %dma_wait3A_206] : memref<56x128xi32, #tpu.memory_space<vmem>> -> memref<1x128xi32, #tpu.memory_space<vmem>>
      %dma_wait3A_208 = tpu.memref_squeeze %dma_wait3A_207 : memref<1x128xi32, #tpu.memory_space<vmem>> -> memref<128xi32, #tpu.memory_space<vmem>>
      %dma_wait3A_209 = arith.constant 0 : i32
      %dma_wait3A_210 = arith.constant 0 : i32
      %dma_wait3A_211 = tpu.memref_slice %arg4[%dma_wait3A_209, %dma_wait3A_210] : memref<10000x128xf32, #tpu.memory_space<hbm>> -> memref<10000x128xf32, #tpu.memory_space<hbm>>
      tpu.wait_indirect_dma semaphore(%arg13 : memref<!tpu.dma_semaphore, #tpu.memory_space<semaphore_mem>>) src(%dma_wait3A_211 : memref<10000x128xf32, #tpu.memory_space<hbm>>) dst(%arg10 : memref<128x128xf32, #tpu.memory_space<vmem>>)
      %dma_start3A_212 = arith.constant 0 : i32
      %dma_start3A_213 = tpu.memref_slice %arg8[%add3A_205, %dma_start3A_212] : memref<56x128xi32, #tpu.memory_space<vmem>> -> memref<1x128xi32, #tpu.memory_space<vmem>>
      %dma_start3A_214 = tpu.memref_squeeze %dma_start3A_213 : memref<1x128xi32, #tpu.memory_space<vmem>> -> memref<128xi32, #tpu.memory_space<vmem>>
      %dma_start3A_215 = arith.constant 0 : i32
      %dma_start3A_216 = arith.constant 0 : i32
      %dma_start3A_217 = tpu.memref_slice %arg11[%dma_start3A_215, %dma_start3A_216] : memref<10112x128xf32, #tpu.memory_space<vmem_shared>> -> memref<10112x128xf32, #tpu.memory_space<vmem_shared>>
      tpu.enqueue_indirect_dma source(%arg10 : memref<128x128xf32, #tpu.memory_space<vmem>>) target(%dma_start3A_217 : memref<10112x128xf32, #tpu.memory_space<vmem_shared>>) offsets(%dma_start3A_214 : memref<128xi32, #tpu.memory_space<vmem>>) semaphore(%arg15 : memref<!tpu.dma_semaphore, #tpu.memory_space<semaphore_mem>>) {add = true}
      %mul3A_218 = arith.constant 2 : i32
      %mul3A_219 = arith.muli %while3A_185, %mul3A_218 : i32
      %add3A_220 = arith.constant 0 : i32
      %add3A_221 = arith.addi %mul3A_219, %add3A_220 : i32
      %add3A_222 = arith.constant 2 : i32
      %add3A_223 = arith.addi %add3A_221, %add3A_222 : i32
      %dma_wait3A_224 = arith.constant 0 : i32
      %dma_wait3A_225 = arith.constant 0 : i32
      %dma_wait3A_226 = tpu.memref_slice %arg8[%dma_wait3A_224, %dma_wait3A_225] : memref<56x128xi32, #tpu.memory_space<vmem>> -> memref<1x128xi32, #tpu.memory_space<vmem>>
      %dma_wait3A_227 = tpu.memref_squeeze %dma_wait3A_226 : memref<1x128xi32, #tpu.memory_space<vmem>> -> memref<128xi32, #tpu.memory_space<vmem>>
      %dma_wait3A_228 = arith.constant 0 : i32
      %dma_wait3A_229 = arith.constant 0 : i32
      %dma_wait3A_230 = tpu.memref_slice %arg11[%dma_wait3A_228, %dma_wait3A_229] : memref<10112x128xf32, #tpu.memory_space<vmem_shared>> -> memref<10112x128xf32, #tpu.memory_space<vmem_shared>>
      tpu.wait_indirect_dma semaphore(%arg14 : memref<!tpu.dma_semaphore, #tpu.memory_space<semaphore_mem>>) src(%arg9 : memref<128x128xf32, #tpu.memory_space<vmem>>) dst(%dma_wait3A_230 : memref<10112x128xf32, #tpu.memory_space<vmem_shared>>)
      %dma_start3A_231 = arith.constant 0 : i32
      %dma_start3A_232 = tpu.memref_slice %arg7[%add3A_223, %dma_start3A_231] : memref<56x128xi32, #tpu.memory_space<vmem>> -> memref<1x128xi32, #tpu.memory_space<vmem>>
      %dma_start3A_233 = tpu.memref_squeeze %dma_start3A_232 : memref<1x128xi32, #tpu.memory_space<vmem>> -> memref<128xi32, #tpu.memory_space<vmem>>
      %dma_start3A_234 = arith.constant 0 : i32
      %dma_start3A_235 = arith.constant 0 : i32
      %dma_start3A_236 = tpu.memref_slice %arg4[%dma_start3A_234, %dma_start3A_235] : memref<10000x128xf32, #tpu.memory_space<hbm>> -> memref<10000x128xf32, #tpu.memory_space<hbm>>
      tpu.enqueue_indirect_dma source(%dma_start3A_236 : memref<10000x128xf32, #tpu.memory_space<hbm>>) target(%arg9 : memref<128x128xf32, #tpu.memory_space<vmem>>) offsets(%dma_start3A_233 : memref<128xi32, #tpu.memory_space<vmem>>) semaphore(%arg12 : memref<!tpu.dma_semaphore, #tpu.memory_space<semaphore_mem>>)
      %mul3A_237 = arith.constant 2 : i32
      %mul3A_238 = arith.muli %while3A_185, %mul3A_237 : i32
      %add3A_239 = arith.constant 1 : i32
      %add3A_240 = arith.addi %mul3A_238, %add3A_239 : i32
      %add3A_241 = arith.constant 2 : i32
      %add3A_242 = arith.addi %add3A_240, %add3A_241 : i32
      %dma_wait3A_243 = arith.constant 0 : i32
      %dma_wait3A_244 = arith.constant 0 : i32
      %dma_wait3A_245 = tpu.memref_slice %arg8[%dma_wait3A_243, %dma_wait3A_244] : memref<56x128xi32, #tpu.memory_space<vmem>> -> memref<1x128xi32, #tpu.memory_space<vmem>>
      %dma_wait3A_246 = tpu.memref_squeeze %dma_wait3A_245 : memref<1x128xi32, #tpu.memory_space<vmem>> -> memref<128xi32, #tpu.memory_space<vmem>>
      %dma_wait3A_247 = arith.constant 0 : i32
      %dma_wait3A_248 = arith.constant 0 : i32
      %dma_wait3A_249 = tpu.memref_slice %arg11[%dma_wait3A_247, %dma_wait3A_248] : memref<10112x128xf32, #tpu.memory_space<vmem_shared>> -> memref<10112x128xf32, #tpu.memory_space<vmem_shared>>
      tpu.wait_indirect_dma semaphore(%arg15 : memref<!tpu.dma_semaphore, #tpu.memory_space<semaphore_mem>>) src(%arg10 : memref<128x128xf32, #tpu.memory_space<vmem>>) dst(%dma_wait3A_249 : memref<10112x128xf32, #tpu.memory_space<vmem_shared>>)
      %dma_start3A_250 = arith.constant 0 : i32
      %dma_start3A_251 = tpu.memref_slice %arg7[%add3A_242, %dma_start3A_250] : memref<56x128xi32, #tpu.memory_space<vmem>> -> memref<1x128xi32, #tpu.memory_space<vmem>>
      %dma_start3A_252 = tpu.memref_squeeze %dma_start3A_251 : memref<1x128xi32, #tpu.memory_space<vmem>> -> memref<128xi32, #tpu.memory_space<vmem>>
      %dma_start3A_253 = arith.constant 0 : i32
      %dma_start3A_254 = arith.constant 0 : i32
      %dma_start3A_255 = tpu.memref_slice %arg4[%dma_start3A_253, %dma_start3A_254] : memref<10000x128xf32, #tpu.memory_space<hbm>> -> memref<10000x128xf32, #tpu.memory_space<hbm>>
      tpu.enqueue_indirect_dma source(%dma_start3A_255 : memref<10000x128xf32, #tpu.memory_space<hbm>>) target(%arg10 : memref<128x128xf32, #tpu.memory_space<vmem>>) offsets(%dma_start3A_252 : memref<128xi32, #tpu.memory_space<vmem>>) semaphore(%arg13 : memref<!tpu.dma_semaphore, #tpu.memory_space<semaphore_mem>>)
    }
    %while3A_55 = arith.constant 1 : i32
    scf.for %while3A_185 = %while3A_53 to %while3A_49 step %while3A_55  : i32 {
      %mul3A_186 = arith.constant 2 : i32
      %mul3A_187 = arith.muli %while3A_185, %mul3A_186 : i32
      %add3A_188 = arith.constant 0 : i32
      %add3A_189 = arith.addi %mul3A_187, %add3A_188 : i32
      %dma_wait3A_190 = arith.constant 0 : i32
      %dma_wait3A_191 = tpu.memref_slice %arg7[%add3A_189, %dma_wait3A_190] : memref<56x128xi32, #tpu.memory_space<vmem>> -> memref<1x128xi32, #tpu.memory_space<vmem>>
      %dma_wait3A_192 = tpu.memref_squeeze %dma_wait3A_191 : memref<1x128xi32, #tpu.memory_space<vmem>> -> memref<128xi32, #tpu.memory_space<vmem>>
      %dma_wait3A_193 = arith.constant 0 : i32
      %dma_wait3A_194 = arith.constant 0 : i32
      %dma_wait3A_195 = tpu.memref_slice %arg4[%dma_wait3A_193, %dma_wait3A_194] : memref<10000x128xf32, #tpu.memory_space<hbm>> -> memref<10000x128xf32, #tpu.memory_space<hbm>>
      tpu.wait_indirect_dma semaphore(%arg12 : memref<!tpu.dma_semaphore, #tpu.memory_space<semaphore_mem>>) src(%dma_wait3A_195 : memref<10000x128xf32, #tpu.memory_space<hbm>>) dst(%arg9 : memref<128x128xf32, #tpu.memory_space<vmem>>)
      %dma_start3A_196 = arith.constant 0 : i32
      %dma_start3A_197 = tpu.memref_slice %arg8[%add3A_189, %dma_start3A_196] : memref<56x128xi32, #tpu.memory_space<vmem>> -> memref<1x128xi32, #tpu.memory_space<vmem>>
      %dma_start3A_198 = tpu.memref_squeeze %dma_start3A_197 : memref<1x128xi32, #tpu.memory_space<vmem>> -> memref<128xi32, #tpu.memory_space<vmem>>
      %dma_start3A_199 = arith.constant 0 : i32
      %dma_start3A_200 = arith.constant 0 : i32
      %dma_start3A_201 = tpu.memref_slice %arg11[%dma_start3A_199, %dma_start3A_200] : memref<10112x128xf32, #tpu.memory_space<vmem_shared>> -> memref<10112x128xf32, #tpu.memory_space<vmem_shared>>
      tpu.enqueue_indirect_dma source(%arg9 : memref<128x128xf32, #tpu.memory_space<vmem>>) target(%dma_start3A_201 : memref<10112x128xf32, #tpu.memory_space<vmem_shared>>) offsets(%dma_start3A_198 : memref<128xi32, #tpu.memory_space<vmem>>) semaphore(%arg14 : memref<!tpu.dma_semaphore, #tpu.memory_space<semaphore_mem>>) {add = true}
      %mul3A_202 = arith.constant 2 : i32
      %mul3A_203 = arith.muli %while3A_185, %mul3A_202 : i32
      %add3A_204 = arith.constant 1 : i32
      %add3A_205 = arith.addi %mul3A_203, %add3A_204 : i32
      %dma_wait3A_206 = arith.constant 0 : i32
      %dma_wait3A_207 = tpu.memref_slice %arg7[%add3A_205, %dma_wait3A_206] : memref<56x128xi32, #tpu.memory_space<vmem>> -> memref<1x128xi32, #tpu.memory_space<vmem>>
      %dma_wait3A_208 = tpu.memref_squeeze %dma_wait3A_207 : memref<1x128xi32, #tpu.memory_space<vmem>> -> memref<128xi32, #tpu.memory_space<vmem>>
      %dma_wait3A_209 = arith.constant 0 : i32
      %dma_wait3A_210 = arith.constant 0 : i32
      %dma_wait3A_211 = tpu.memref_slice %arg4[%dma_wait3A_209, %dma_wait3A_210] : memref<10000x128xf32, #tpu.memory_space<hbm>> -> memref<10000x128xf32, #tpu.memory_space<hbm>>
      tpu.wait_indirect_dma semaphore(%arg13 : memref<!tpu.dma_semaphore, #tpu.memory_space<semaphore_mem>>) src(%dma_wait3A_211 : memref<10000x128xf32, #tpu.memory_space<hbm>>) dst(%arg10 : memref<128x128xf32, #tpu.memory_space<vmem>>)
      %dma_start3A_212 = arith.constant 0 : i32
      %dma_start3A_213 = tpu.memref_slice %arg8[%add3A_205, %dma_start3A_212] : memref<56x128xi32, #tpu.memory_space<vmem>> -> memref<1x128xi32, #tpu.memory_space<vmem>>
      %dma_start3A_214 = tpu.memref_squeeze %dma_start3A_213 : memref<1x128xi32, #tpu.memory_space<vmem>> -> memref<128xi32, #tpu.memory_space<vmem>>
      %dma_start3A_215 = arith.constant 0 : i32
      %dma_start3A_216 = arith.constant 0 : i32
      %dma_start3A_217 = tpu.memref_slice %arg11[%dma_start3A_215, %dma_start3A_216] : memref<10112x128xf32, #tpu.memory_space<vmem_shared>> -> memref<10112x128xf32, #tpu.memory_space<vmem_shared>>
      tpu.enqueue_indirect_dma source(%arg10 : memref<128x128xf32, #tpu.memory_space<vmem>>) target(%dma_start3A_217 : memref<10112x128xf32, #tpu.memory_space<vmem_shared>>) offsets(%dma_start3A_214 : memref<128xi32, #tpu.memory_space<vmem>>) semaphore(%arg15 : memref<!tpu.dma_semaphore, #tpu.memory_space<semaphore_mem>>) {add = true}
      %mul3A_218 = arith.constant 2 : i32
      %mul3A_219 = arith.muli %while3A_185, %mul3A_218 : i32
      %add3A_220 = arith.constant 0 : i32
      %add3A_221 = arith.addi %mul3A_219, %add3A_220 : i32
      %add3A_222 = arith.constant 2 : i32
      %add3A_223 = arith.addi %add3A_221, %add3A_222 : i32
      %dma_wait3A_224 = arith.constant 0 : i32
      %dma_wait3A_225 = arith.constant 0 : i32
      %dma_wait3A_226 = tpu.memref_slice %arg8[%dma_wait3A_224, %dma_wait3A_225] : memref<56x128xi32, #tpu.memory_space<vmem>> -> memref<1x128xi32, #tpu.memory_space<vmem>>
      %dma_wait3A_227 = tpu.memref_squeeze %dma_wait3A_226 : memref<1x128xi32, #tpu.memory_space<vmem>> -> memref<128xi32, #tpu.memory_space<vmem>>
      %dma_wait3A_228 = arith.constant 0 : i32
      %dma_wait3A_229 = arith.constant 0 : i32
      %dma_wait3A_230 = tpu.memref_slice %arg11[%dma_wait3A_228, %dma_wait3A_229] : memref<10112x128xf32, #tpu.memory_space<vmem_shared>> -> memref<10112x128xf32, #tpu.memory_space<vmem_shared>>
      tpu.wait_indirect_dma semaphore(%arg14 : memref<!tpu.dma_semaphore, #tpu.memory_space<semaphore_mem>>) src(%arg9 : memref<128x128xf32, #tpu.memory_space<vmem>>) dst(%dma_wait3A_230 : memref<10112x128xf32, #tpu.memory_space<vmem_shared>>)
      %dma_start3A_231 = arith.constant 0 : i32
      %dma_start3A_232 = tpu.memref_slice %arg7[%add3A_223, %dma_start3A_231] : memref<56x128xi32, #tpu.memory_space<vmem>> -> memref<1x128xi32, #tpu.memory_space<vmem>>
      %dma_start3A_233 = tpu.memref_squeeze %dma_start3A_232 : memref<1x128xi32, #tpu.memory_space<vmem>> -> memref<128xi32, #tpu.memory_space<vmem>>
      %dma_start3A_234 = arith.constant 0 : i32
      %dma_start3A_235 = arith.constant 0 : i32
      %dma_start3A_236 = tpu.memref_slice %arg4[%dma_start3A_234, %dma_start3A_235] : memref<10000x128xf32, #tpu.memory_space<hbm>> -> memref<10000x128xf32, #tpu.memory_space<hbm>>
      tpu.enqueue_indirect_dma source(%dma_start3A_236 : memref<10000x128xf32, #tpu.memory_space<hbm>>) target(%arg9 : memref<128x128xf32, #tpu.memory_space<vmem>>) offsets(%dma_start3A_233 : memref<128xi32, #tpu.memory_space<vmem>>) semaphore(%arg12 : memref<!tpu.dma_semaphore, #tpu.memory_space<semaphore_mem>>)
      %mul3A_237 = arith.constant 2 : i32
      %mul3A_238 = arith.muli %while3A_185, %mul3A_237 : i32
      %add3A_239 = arith.constant 1 : i32
      %add3A_240 = arith.addi %mul3A_238, %add3A_239 : i32
      %add3A_241 = arith.constant 2 : i32
      %add3A_242 = arith.addi %add3A_240, %add3A_241 : i32
      %dma_wait3A_243 = arith.constant 0 : i32
      %dma_wait3A_244 = arith.constant 0 : i32
      %dma_wait3A_245 = tpu.memref_slice %arg8[%dma_wait3A_243, %dma_wait3A_244] : memref<56x128xi32, #tpu.memory_space<vmem>> -> memref<1x128xi32, #tpu.memory_space<vmem>>
      %dma_wait3A_246 = tpu.memref_squeeze %dma_wait3A_245 : memref<1x128xi32, #tpu.memory_space<vmem>> -> memref<128xi32, #tpu.memory_space<vmem>>
      %dma_wait3A_247 = arith.constant 0 : i32
      %dma_wait3A_248 = arith.constant 0 : i32
      %dma_wait3A_249 = tpu.memref_slice %arg11[%dma_wait3A_247, %dma_wait3A_248] : memref<10112x128xf32, #tpu.memory_space<vmem_shared>> -> memref<10112x128xf32, #tpu.memory_space<vmem_shared>>
      tpu.wait_indirect_dma semaphore(%arg15 : memref<!tpu.dma_semaphore, #tpu.memory_space<semaphore_mem>>) src(%arg10 : memref<128x128xf32, #tpu.memory_space<vmem>>) dst(%dma_wait3A_249 : memref<10112x128xf32, #tpu.memory_space<vmem_shared>>)
      %dma_start3A_250 = arith.constant 0 : i32
      %dma_start3A_251 = tpu.memref_slice %arg7[%add3A_242, %dma_start3A_250] : memref<56x128xi32, #tpu.memory_space<vmem>> -> memref<1x128xi32, #tpu.memory_space<vmem>>
      %dma_start3A_252 = tpu.memref_squeeze %dma_start3A_251 : memref<1x128xi32, #tpu.memory_space<vmem>> -> memref<128xi32, #tpu.memory_space<vmem>>
      %dma_start3A_253 = arith.constant 0 : i32
      %dma_start3A_254 = arith.constant 0 : i32
      %dma_start3A_255 = tpu.memref_slice %arg4[%dma_start3A_253, %dma_start3A_254] : memref<10000x128xf32, #tpu.memory_space<hbm>> -> memref<10000x128xf32, #tpu.memory_space<hbm>>
      tpu.enqueue_indirect_dma source(%dma_start3A_255 : memref<10000x128xf32, #tpu.memory_space<hbm>>) target(%arg10 : memref<128x128xf32, #tpu.memory_space<vmem>>) offsets(%dma_start3A_252 : memref<128xi32, #tpu.memory_space<vmem>>) semaphore(%arg13 : memref<!tpu.dma_semaphore, #tpu.memory_space<semaphore_mem>>)
    }
    %sub3A_56 = arith.constant 1 : i32
    %sub3A_57 = arith.subi %select_n3A_28, %sub3A_56 : i32
    %mul3A_58 = arith.constant 2 : i32
    %mul3A_59 = arith.muli %sub3A_57, %mul3A_58 : i32
    %add3A_60 = arith.constant 0 : i32
    %add3A_61 = arith.addi %mul3A_59, %add3A_60 : i32
    %dma_wait3A = arith.constant 0 : i32
    %dma_wait3A_62 = tpu.memref_slice %arg7[%add3A_61, %dma_wait3A] : memref<56x128xi32, #tpu.memory_space<vmem>> -> memref<1x128xi32, #tpu.memory_space<vmem>>
    %dma_wait3A_63 = tpu.memref_squeeze %dma_wait3A_62 : memref<1x128xi32, #tpu.memory_space<vmem>> -> memref<128xi32, #tpu.memory_space<vmem>>
    %dma_wait3A_64 = arith.constant 0 : i32
    %dma_wait3A_65 = arith.constant 0 : i32
    %dma_wait3A_66 = tpu.memref_slice %arg4[%dma_wait3A_64, %dma_wait3A_65] : memref<10000x128xf32, #tpu.memory_space<hbm>> -> memref<10000x128xf32, #tpu.memory_space<hbm>>
    tpu.wait_indirect_dma semaphore(%arg12 : memref<!tpu.dma_semaphore, #tpu.memory_space<semaphore_mem>>) src(%dma_wait3A_66 : memref<10000x128xf32, #tpu.memory_space<hbm>>) dst(%arg9 : memref<128x128xf32, #tpu.memory_space<vmem>>)
    %dma_start3A_67 = arith.constant 0 : i32
    %dma_start3A_68 = tpu.memref_slice %arg8[%add3A_61, %dma_start3A_67] : memref<56x128xi32, #tpu.memory_space<vmem>> -> memref<1x128xi32, #tpu.memory_space<vmem>>
    %dma_start3A_69 = tpu.memref_squeeze %dma_start3A_68 : memref<1x128xi32, #tpu.memory_space<vmem>> -> memref<128xi32, #tpu.memory_space<vmem>>
    %dma_start3A_70 = arith.constant 0 : i32
    %dma_start3A_71 = arith.constant 0 : i32
    %dma_start3A_72 = tpu.memref_slice %arg11[%dma_start3A_70, %dma_start3A_71] : memref<10112x128xf32, #tpu.memory_space<vmem_shared>> -> memref<10112x128xf32, #tpu.memory_space<vmem_shared>>
    tpu.enqueue_indirect_dma source(%arg9 : memref<128x128xf32, #tpu.memory_space<vmem>>) target(%dma_start3A_72 : memref<10112x128xf32, #tpu.memory_space<vmem_shared>>) offsets(%dma_start3A_69 : memref<128xi32, #tpu.memory_space<vmem>>) semaphore(%arg14 : memref<!tpu.dma_semaphore, #tpu.memory_space<semaphore_mem>>) {add = true}
    %sub3A_73 = arith.constant 1 : i32
    %sub3A_74 = arith.subi %select_n3A_28, %sub3A_73 : i32
    %mul3A_75 = arith.constant 2 : i32
    %mul3A_76 = arith.muli %sub3A_74, %mul3A_75 : i32
    %add3A_77 = arith.constant 1 : i32
    %add3A_78 = arith.addi %mul3A_76, %add3A_77 : i32
    %dma_wait3A_79 = arith.constant 0 : i32
    %dma_wait3A_80 = tpu.memref_slice %arg7[%add3A_78, %dma_wait3A_79] : memref<56x128xi32, #tpu.memory_space<vmem>> -> memref<1x128xi32, #tpu.memory_space<vmem>>
    %dma_wait3A_81 = tpu.memref_squeeze %dma_wait3A_80 : memref<1x128xi32, #tpu.memory_space<vmem>> -> memref<128xi32, #tpu.memory_space<vmem>>
    %dma_wait3A_82 = arith.constant 0 : i32
    %dma_wait3A_83 = arith.constant 0 : i32
    %dma_wait3A_84 = tpu.memref_slice %arg4[%dma_wait3A_82, %dma_wait3A_83] : memref<10000x128xf32, #tpu.memory_space<hbm>> -> memref<10000x128xf32, #tpu.memory_space<hbm>>
    tpu.wait_indirect_dma semaphore(%arg13 : memref<!tpu.dma_semaphore, #tpu.memory_space<semaphore_mem>>) src(%dma_wait3A_84 : memref<10000x128xf32, #tpu.memory_space<hbm>>) dst(%arg10 : memref<128x128xf32, #tpu.memory_space<vmem>>)
    %dma_start3A_85 = arith.constant 0 : i32
    %dma_start3A_86 = tpu.memref_slice %arg8[%add3A_78, %dma_start3A_85] : memref<56x128xi32, #tpu.memory_space<vmem>> -> memref<1x128xi32, #tpu.memory_space<vmem>>
    %dma_start3A_87 = tpu.memref_squeeze %dma_start3A_86 : memref<1x128xi32, #tpu.memory_space<vmem>> -> memref<128xi32, #tpu.memory_space<vmem>>
    %dma_start3A_88 = arith.constant 0 : i32
    %dma_start3A_89 = arith.constant 0 : i32
    %dma_start3A_90 = tpu.memref_slice %arg11[%dma_start3A_88, %dma_start3A_89] : memref<10112x128xf32, #tpu.memory_space<vmem_shared>> -> memref<10112x128xf32, #tpu.memory_space<vmem_shared>>
    tpu.enqueue_indirect_dma source(%arg10 : memref<128x128xf32, #tpu.memory_space<vmem>>) target(%dma_start3A_90 : memref<10112x128xf32, #tpu.memory_space<vmem_shared>>) offsets(%dma_start3A_87 : memref<128xi32, #tpu.memory_space<vmem>>) semaphore(%arg15 : memref<!tpu.dma_semaphore, #tpu.memory_space<semaphore_mem>>) {add = true}
    %dma_wait3A_91 = arith.constant 0 : i32
    %dma_wait3A_92 = arith.constant 0 : i32
    %dma_wait3A_93 = tpu.memref_slice %arg8[%dma_wait3A_91, %dma_wait3A_92] : memref<56x128xi32, #tpu.memory_space<vmem>> -> memref<1x128xi32, #tpu.memory_space<vmem>>
    %dma_wait3A_94 = tpu.memref_squeeze %dma_wait3A_93 : memref<1x128xi32, #tpu.memory_space<vmem>> -> memref<128xi32, #tpu.memory_space<vmem>>
    %dma_wait3A_95 = arith.constant 0 : i32
    %dma_wait3A_96 = arith.constant 0 : i32
    %dma_wait3A_97 = tpu.memref_slice %arg11[%dma_wait3A_95, %dma_wait3A_96] : memref<10112x128xf32, #tpu.memory_space<vmem_shared>> -> memref<10112x128xf32, #tpu.memory_space<vmem_shared>>
    tpu.wait_indirect_dma semaphore(%arg14 : memref<!tpu.dma_semaphore, #tpu.memory_space<semaphore_mem>>) src(%arg9 : memref<128x128xf32, #tpu.memory_space<vmem>>) dst(%dma_wait3A_97 : memref<10112x128xf32, #tpu.memory_space<vmem_shared>>)
    %dma_wait3A_98 = arith.constant 0 : i32
    %dma_wait3A_99 = arith.constant 0 : i32
    %dma_wait3A_100 = tpu.memref_slice %arg8[%dma_wait3A_98, %dma_wait3A_99] : memref<56x128xi32, #tpu.memory_space<vmem>> -> memref<1x128xi32, #tpu.memory_space<vmem>>
    %dma_wait3A_101 = tpu.memref_squeeze %dma_wait3A_100 : memref<1x128xi32, #tpu.memory_space<vmem>> -> memref<128xi32, #tpu.memory_space<vmem>>
    %dma_wait3A_102 = arith.constant 0 : i32
    %dma_wait3A_103 = arith.constant 0 : i32
    %dma_wait3A_104 = tpu.memref_slice %arg11[%dma_wait3A_102, %dma_wait3A_103] : memref<10112x128xf32, #tpu.memory_space<vmem_shared>> -> memref<10112x128xf32, #tpu.memory_space<vmem_shared>>
    tpu.wait_indirect_dma semaphore(%arg15 : memref<!tpu.dma_semaphore, #tpu.memory_space<semaphore_mem>>) src(%arg10 : memref<128x128xf32, #tpu.memory_space<vmem>>) dst(%dma_wait3A_104 : memref<10112x128xf32, #tpu.memory_space<vmem_shared>>)
    %mul3A_105 = arith.constant 1 : i32
    %mul3A_106 = arith.muli %mul3A_105, %select_n3A_10 : i32
    %add3A_107 = arith.addi %select_n3A, %mul3A_106 : i32
    "tpu.region"() ({
      %run_scoped3A = tpu.sem_alloc : memref<!tpu.dma_semaphore, #tpu.memory_space<semaphore_mem>>
      %dma_start3A_185 = arith.constant 0 : i32
      %dma_start3A_186 = tpu.memref_slice %arg2[%add3A_107, %dma_start3A_185] : memref<2560x128xi32, #tpu.memory_space<hbm>> -> memref<56x128xi32, #tpu.memory_space<hbm>>
      %dma_start3A_187 = arith.constant 0 : i32
      %dma_start3A_188 = tpu.memref_slice %arg2[%add3A_107, %dma_start3A_187] : memref<2560x128xi32, #tpu.memory_space<hbm>> -> memref<56x128xi32, #tpu.memory_space<hbm>>
      tpu.enqueue_dma source(%dma_start3A_188 : memref<56x128xi32, #tpu.memory_space<hbm>>) target(%arg7 : memref<56x128xi32, #tpu.memory_space<vmem>>) target_semaphore(%run_scoped3A : memref<!tpu.dma_semaphore, #tpu.memory_space<semaphore_mem>>)
      %dma_wait3A_189 = arith.constant 0 : i32
      %dma_wait3A_190 = tpu.memref_slice %arg2[%add3A_107, %dma_wait3A_189] : memref<2560x128xi32, #tpu.memory_space<hbm>> -> memref<56x128xi32, #tpu.memory_space<hbm>>
      %dma_wait3A_191 = arith.constant 0 : i32
      %dma_wait3A_192 = tpu.memref_slice %arg2[%add3A_107, %dma_wait3A_191] : memref<2560x128xi32, #tpu.memory_space<hbm>> -> memref<56x128xi32, #tpu.memory_space<hbm>>
      tpu.wait_dma2 semaphore(%run_scoped3A : memref<!tpu.dma_semaphore, #tpu.memory_space<semaphore_mem>>) src(%dma_wait3A_192 : memref<56x128xi32, #tpu.memory_space<hbm>>) dst(%arg7 : memref<56x128xi32, #tpu.memory_space<vmem>>)
      tpu.yield
    }) : () -> ()
    "tpu.region"() ({
      %run_scoped3A = tpu.sem_alloc : memref<!tpu.dma_semaphore, #tpu.memory_space<semaphore_mem>>
      %dma_start3A_185 = arith.constant 0 : i32
      %dma_start3A_186 = tpu.memref_slice %arg3[%add3A_107, %dma_start3A_185] : memref<2560x128xi32, #tpu.memory_space<hbm>> -> memref<56x128xi32, #tpu.memory_space<hbm>>
      %dma_start3A_187 = arith.constant 0 : i32
      %dma_start3A_188 = tpu.memref_slice %arg3[%add3A_107, %dma_start3A_187] : memref<2560x128xi32, #tpu.memory_space<hbm>> -> memref<56x128xi32, #tpu.memory_space<hbm>>
      tpu.enqueue_dma source(%dma_start3A_188 : memref<56x128xi32, #tpu.memory_space<hbm>>) target(%arg8 : memref<56x128xi32, #tpu.memory_space<vmem>>) target_semaphore(%run_scoped3A : memref<!tpu.dma_semaphore, #tpu.memory_space<semaphore_mem>>)
      %dma_wait3A_189 = arith.constant 0 : i32
      %dma_wait3A_190 = tpu.memref_slice %arg3[%add3A_107, %dma_wait3A_189] : memref<2560x128xi32, #tpu.memory_space<hbm>> -> memref<56x128xi32, #tpu.memory_space<hbm>>
      %dma_wait3A_191 = arith.constant 0 : i32
      %dma_wait3A_192 = tpu.memref_slice %arg3[%add3A_107, %dma_wait3A_191] : memref<2560x128xi32, #tpu.memory_space<hbm>> -> memref<56x128xi32, #tpu.memory_space<hbm>>
      tpu.wait_dma2 semaphore(%run_scoped3A : memref<!tpu.dma_semaphore, #tpu.memory_space<semaphore_mem>>) src(%dma_wait3A_192 : memref<56x128xi32, #tpu.memory_space<hbm>>) dst(%arg8 : memref<56x128xi32, #tpu.memory_space<vmem>>)
      tpu.yield
    }) : () -> ()
    %dma_start3A_108 = arith.constant 0 : i32
    %dma_start3A_109 = arith.constant 0 : i32
    %dma_start3A_110 = tpu.memref_slice %arg7[%dma_start3A_108, %dma_start3A_109] : memref<56x128xi32, #tpu.memory_space<vmem>> -> memref<1x128xi32, #tpu.memory_space<vmem>>
    %dma_start3A_111 = tpu.memref_squeeze %dma_start3A_110 : memref<1x128xi32, #tpu.memory_space<vmem>> -> memref<128xi32, #tpu.memory_space<vmem>>
    %dma_start3A_112 = arith.constant 0 : i32
    %dma_start3A_113 = arith.constant 0 : i32
    %dma_start3A_114 = tpu.memref_slice %arg4[%dma_start3A_112, %dma_start3A_113] : memref<10000x128xf32, #tpu.memory_space<hbm>> -> memref<10000x128xf32, #tpu.memory_space<hbm>>
    tpu.enqueue_indirect_dma source(%dma_start3A_114 : memref<10000x128xf32, #tpu.memory_space<hbm>>) target(%arg9 : memref<128x128xf32, #tpu.memory_space<vmem>>) offsets(%dma_start3A_111 : memref<128xi32, #tpu.memory_space<vmem>>) semaphore(%arg12 : memref<!tpu.dma_semaphore, #tpu.memory_space<semaphore_mem>>)
    %dma_start3A_115 = arith.constant 1 : i32
    %dma_start3A_116 = arith.constant 0 : i32
    %dma_start3A_117 = tpu.memref_slice %arg7[%dma_start3A_115, %dma_start3A_116] : memref<56x128xi32, #tpu.memory_space<vmem>> -> memref<1x128xi32, #tpu.memory_space<vmem>>
    %dma_start3A_118 = tpu.memref_squeeze %dma_start3A_117 : memref<1x128xi32, #tpu.memory_space<vmem>> -> memref<128xi32, #tpu.memory_space<vmem>>
    %dma_start3A_119 = arith.constant 0 : i32
    %dma_start3A_120 = arith.constant 0 : i32
    %dma_start3A_121 = tpu.memref_slice %arg4[%dma_start3A_119, %dma_start3A_120] : memref<10000x128xf32, #tpu.memory_space<hbm>> -> memref<10000x128xf32, #tpu.memory_space<hbm>>
    tpu.enqueue_indirect_dma source(%dma_start3A_121 : memref<10000x128xf32, #tpu.memory_space<hbm>>) target(%arg10 : memref<128x128xf32, #tpu.memory_space<vmem>>) offsets(%dma_start3A_118 : memref<128xi32, #tpu.memory_space<vmem>>) semaphore(%arg13 : memref<!tpu.dma_semaphore, #tpu.memory_space<semaphore_mem>>)
    %sub3A_122 = arith.constant 1 : i32
    %sub3A_123 = arith.subi %select_n3A_28, %sub3A_122 : i32
    %while3A_124 = arith.constant 0 : i32
    %while3A_125 = arith.constant 0 : i32
    %while3A_126 = arith.subi %sub3A_123, %while3A_125 : i32
    %while3A_127 = arith.addi %while3A_125, %while3A_126 : i32
    %while3A_128 = arith.constant 1 : i32
    %while3A_129 = arith.divsi %while3A_126, %while3A_128 : i32
    %while3A_130 = arith.muli %while3A_129, %while3A_128 : i32
    %while3A_131 = arith.addi %while3A_125, %while3A_130 : i32
    %while3A_132 = arith.constant 1 : i32
    scf.for %while3A_185 = %while3A_125 to %while3A_131 step %while3A_132  : i32 {
      %mul3A_186 = arith.constant 2 : i32
      %mul3A_187 = arith.muli %while3A_185, %mul3A_186 : i32
      %add3A_188 = arith.constant 0 : i32
      %add3A_189 = arith.addi %mul3A_187, %add3A_188 : i32
      %dma_wait3A_190 = arith.constant 0 : i32
      %dma_wait3A_191 = tpu.memref_slice %arg7[%add3A_189, %dma_wait3A_190] : memref<56x128xi32, #tpu.memory_space<vmem>> -> memref<1x128xi32, #tpu.memory_space<vmem>>
      %dma_wait3A_192 = tpu.memref_squeeze %dma_wait3A_191 : memref<1x128xi32, #tpu.memory_space<vmem>> -> memref<128xi32, #tpu.memory_space<vmem>>
      %dma_wait3A_193 = arith.constant 0 : i32
      %dma_wait3A_194 = arith.constant 0 : i32
      %dma_wait3A_195 = tpu.memref_slice %arg4[%dma_wait3A_193, %dma_wait3A_194] : memref<10000x128xf32, #tpu.memory_space<hbm>> -> memref<10000x128xf32, #tpu.memory_space<hbm>>
      tpu.wait_indirect_dma semaphore(%arg12 : memref<!tpu.dma_semaphore, #tpu.memory_space<semaphore_mem>>) src(%dma_wait3A_195 : memref<10000x128xf32, #tpu.memory_space<hbm>>) dst(%arg9 : memref<128x128xf32, #tpu.memory_space<vmem>>)
      %dma_start3A_196 = arith.constant 0 : i32
      %dma_start3A_197 = tpu.memref_slice %arg8[%add3A_189, %dma_start3A_196] : memref<56x128xi32, #tpu.memory_space<vmem>> -> memref<1x128xi32, #tpu.memory_space<vmem>>
      %dma_start3A_198 = tpu.memref_squeeze %dma_start3A_197 : memref<1x128xi32, #tpu.memory_space<vmem>> -> memref<128xi32, #tpu.memory_space<vmem>>
      %dma_start3A_199 = arith.constant 0 : i32
      %dma_start3A_200 = arith.constant 0 : i32
      %dma_start3A_201 = tpu.memref_slice %arg11[%dma_start3A_199, %dma_start3A_200] : memref<10112x128xf32, #tpu.memory_space<vmem_shared>> -> memref<10112x128xf32, #tpu.memory_space<vmem_shared>>
      tpu.enqueue_indirect_dma source(%arg9 : memref<128x128xf32, #tpu.memory_space<vmem>>) target(%dma_start3A_201 : memref<10112x128xf32, #tpu.memory_space<vmem_shared>>) offsets(%dma_start3A_198 : memref<128xi32, #tpu.memory_space<vmem>>) semaphore(%arg14 : memref<!tpu.dma_semaphore, #tpu.memory_space<semaphore_mem>>) {add = true}
      %mul3A_202 = arith.constant 2 : i32
      %mul3A_203 = arith.muli %while3A_185, %mul3A_202 : i32
      %add3A_204 = arith.constant 1 : i32
      %add3A_205 = arith.addi %mul3A_203, %add3A_204 : i32
      %dma_wait3A_206 = arith.constant 0 : i32
      %dma_wait3A_207 = tpu.memref_slice %arg7[%add3A_205, %dma_wait3A_206] : memref<56x128xi32, #tpu.memory_space<vmem>> -> memref<1x128xi32, #tpu.memory_space<vmem>>
      %dma_wait3A_208 = tpu.memref_squeeze %dma_wait3A_207 : memref<1x128xi32, #tpu.memory_space<vmem>> -> memref<128xi32, #tpu.memory_space<vmem>>
      %dma_wait3A_209 = arith.constant 0 : i32
      %dma_wait3A_210 = arith.constant 0 : i32
      %dma_wait3A_211 = tpu.memref_slice %arg4[%dma_wait3A_209, %dma_wait3A_210] : memref<10000x128xf32, #tpu.memory_space<hbm>> -> memref<10000x128xf32, #tpu.memory_space<hbm>>
      tpu.wait_indirect_dma semaphore(%arg13 : memref<!tpu.dma_semaphore, #tpu.memory_space<semaphore_mem>>) src(%dma_wait3A_211 : memref<10000x128xf32, #tpu.memory_space<hbm>>) dst(%arg10 : memref<128x128xf32, #tpu.memory_space<vmem>>)
      %dma_start3A_212 = arith.constant 0 : i32
      %dma_start3A_213 = tpu.memref_slice %arg8[%add3A_205, %dma_start3A_212] : memref<56x128xi32, #tpu.memory_space<vmem>> -> memref<1x128xi32, #tpu.memory_space<vmem>>
      %dma_start3A_214 = tpu.memref_squeeze %dma_start3A_213 : memref<1x128xi32, #tpu.memory_space<vmem>> -> memref<128xi32, #tpu.memory_space<vmem>>
      %dma_start3A_215 = arith.constant 0 : i32
      %dma_start3A_216 = arith.constant 0 : i32
      %dma_start3A_217 = tpu.memref_slice %arg11[%dma_start3A_215, %dma_start3A_216] : memref<10112x128xf32, #tpu.memory_space<vmem_shared>> -> memref<10112x128xf32, #tpu.memory_space<vmem_shared>>
      tpu.enqueue_indirect_dma source(%arg10 : memref<128x128xf32, #tpu.memory_space<vmem>>) target(%dma_start3A_217 : memref<10112x128xf32, #tpu.memory_space<vmem_shared>>) offsets(%dma_start3A_214 : memref<128xi32, #tpu.memory_space<vmem>>) semaphore(%arg15 : memref<!tpu.dma_semaphore, #tpu.memory_space<semaphore_mem>>) {add = true}
      %mul3A_218 = arith.constant 2 : i32
      %mul3A_219 = arith.muli %while3A_185, %mul3A_218 : i32
      %add3A_220 = arith.constant 0 : i32
      %add3A_221 = arith.addi %mul3A_219, %add3A_220 : i32
      %add3A_222 = arith.constant 2 : i32
      %add3A_223 = arith.addi %add3A_221, %add3A_222 : i32
      %dma_wait3A_224 = arith.constant 0 : i32
      %dma_wait3A_225 = arith.constant 0 : i32
      %dma_wait3A_226 = tpu.memref_slice %arg8[%dma_wait3A_224, %dma_wait3A_225] : memref<56x128xi32, #tpu.memory_space<vmem>> -> memref<1x128xi32, #tpu.memory_space<vmem>>
      %dma_wait3A_227 = tpu.memref_squeeze %dma_wait3A_226 : memref<1x128xi32, #tpu.memory_space<vmem>> -> memref<128xi32, #tpu.memory_space<vmem>>
      %dma_wait3A_228 = arith.constant 0 : i32
      %dma_wait3A_229 = arith.constant 0 : i32
      %dma_wait3A_230 = tpu.memref_slice %arg11[%dma_wait3A_228, %dma_wait3A_229] : memref<10112x128xf32, #tpu.memory_space<vmem_shared>> -> memref<10112x128xf32, #tpu.memory_space<vmem_shared>>
      tpu.wait_indirect_dma semaphore(%arg14 : memref<!tpu.dma_semaphore, #tpu.memory_space<semaphore_mem>>) src(%arg9 : memref<128x128xf32, #tpu.memory_space<vmem>>) dst(%dma_wait3A_230 : memref<10112x128xf32, #tpu.memory_space<vmem_shared>>)
      %dma_start3A_231 = arith.constant 0 : i32
      %dma_start3A_232 = tpu.memref_slice %arg7[%add3A_223, %dma_start3A_231] : memref<56x128xi32, #tpu.memory_space<vmem>> -> memref<1x128xi32, #tpu.memory_space<vmem>>
      %dma_start3A_233 = tpu.memref_squeeze %dma_start3A_232 : memref<1x128xi32, #tpu.memory_space<vmem>> -> memref<128xi32, #tpu.memory_space<vmem>>
      %dma_start3A_234 = arith.constant 0 : i32
      %dma_start3A_235 = arith.constant 0 : i32
      %dma_start3A_236 = tpu.memref_slice %arg4[%dma_start3A_234, %dma_start3A_235] : memref<10000x128xf32, #tpu.memory_space<hbm>> -> memref<10000x128xf32, #tpu.memory_space<hbm>>
      tpu.enqueue_indirect_dma source(%dma_start3A_236 : memref<10000x128xf32, #tpu.memory_space<hbm>>) target(%arg9 : memref<128x128xf32, #tpu.memory_space<vmem>>) offsets(%dma_start3A_233 : memref<128xi32, #tpu.memory_space<vmem>>) semaphore(%arg12 : memref<!tpu.dma_semaphore, #tpu.memory_space<semaphore_mem>>)
      %mul3A_237 = arith.constant 2 : i32
      %mul3A_238 = arith.muli %while3A_185, %mul3A_237 : i32
      %add3A_239 = arith.constant 1 : i32
      %add3A_240 = arith.addi %mul3A_238, %add3A_239 : i32
      %add3A_241 = arith.constant 2 : i32
      %add3A_242 = arith.addi %add3A_240, %add3A_241 : i32
      %dma_wait3A_243 = arith.constant 0 : i32
      %dma_wait3A_244 = arith.constant 0 : i32
      %dma_wait3A_245 = tpu.memref_slice %arg8[%dma_wait3A_243, %dma_wait3A_244] : memref<56x128xi32, #tpu.memory_space<vmem>> -> memref<1x128xi32, #tpu.memory_space<vmem>>
      %dma_wait3A_246 = tpu.memref_squeeze %dma_wait3A_245 : memref<1x128xi32, #tpu.memory_space<vmem>> -> memref<128xi32, #tpu.memory_space<vmem>>
      %dma_wait3A_247 = arith.constant 0 : i32
      %dma_wait3A_248 = arith.constant 0 : i32
      %dma_wait3A_249 = tpu.memref_slice %arg11[%dma_wait3A_247, %dma_wait3A_248] : memref<10112x128xf32, #tpu.memory_space<vmem_shared>> -> memref<10112x128xf32, #tpu.memory_space<vmem_shared>>
      tpu.wait_indirect_dma semaphore(%arg15 : memref<!tpu.dma_semaphore, #tpu.memory_space<semaphore_mem>>) src(%arg10 : memref<128x128xf32, #tpu.memory_space<vmem>>) dst(%dma_wait3A_249 : memref<10112x128xf32, #tpu.memory_space<vmem_shared>>)
      %dma_start3A_250 = arith.constant 0 : i32
      %dma_start3A_251 = tpu.memref_slice %arg7[%add3A_242, %dma_start3A_250] : memref<56x128xi32, #tpu.memory_space<vmem>> -> memref<1x128xi32, #tpu.memory_space<vmem>>
      %dma_start3A_252 = tpu.memref_squeeze %dma_start3A_251 : memref<1x128xi32, #tpu.memory_space<vmem>> -> memref<128xi32, #tpu.memory_space<vmem>>
      %dma_start3A_253 = arith.constant 0 : i32
      %dma_start3A_254 = arith.constant 0 : i32
      %dma_start3A_255 = tpu.memref_slice %arg4[%dma_start3A_253, %dma_start3A_254] : memref<10000x128xf32, #tpu.memory_space<hbm>> -> memref<10000x128xf32, #tpu.memory_space<hbm>>
      tpu.enqueue_indirect_dma source(%dma_start3A_255 : memref<10000x128xf32, #tpu.memory_space<hbm>>) target(%arg10 : memref<128x128xf32, #tpu.memory_space<vmem>>) offsets(%dma_start3A_252 : memref<128xi32, #tpu.memory_space<vmem>>) semaphore(%arg13 : memref<!tpu.dma_semaphore, #tpu.memory_space<semaphore_mem>>)
    }
    %while3A_133 = arith.constant 1 : i32
    scf.for %while3A_185 = %while3A_131 to %while3A_127 step %while3A_133  : i32 {
      %mul3A_186 = arith.constant 2 : i32
      %mul3A_187 = arith.muli %while3A_185, %mul3A_186 : i32
      %add3A_188 = arith.constant 0 : i32
      %add3A_189 = arith.addi %mul3A_187, %add3A_188 : i32
      %dma_wait3A_190 = arith.constant 0 : i32
      %dma_wait3A_191 = tpu.memref_slice %arg7[%add3A_189, %dma_wait3A_190] : memref<56x128xi32, #tpu.memory_space<vmem>> -> memref<1x128xi32, #tpu.memory_space<vmem>>
      %dma_wait3A_192 = tpu.memref_squeeze %dma_wait3A_191 : memref<1x128xi32, #tpu.memory_space<vmem>> -> memref<128xi32, #tpu.memory_space<vmem>>
      %dma_wait3A_193 = arith.constant 0 : i32
      %dma_wait3A_194 = arith.constant 0 : i32
      %dma_wait3A_195 = tpu.memref_slice %arg4[%dma_wait3A_193, %dma_wait3A_194] : memref<10000x128xf32, #tpu.memory_space<hbm>> -> memref<10000x128xf32, #tpu.memory_space<hbm>>
      tpu.wait_indirect_dma semaphore(%arg12 : memref<!tpu.dma_semaphore, #tpu.memory_space<semaphore_mem>>) src(%dma_wait3A_195 : memref<10000x128xf32, #tpu.memory_space<hbm>>) dst(%arg9 : memref<128x128xf32, #tpu.memory_space<vmem>>)
      %dma_start3A_196 = arith.constant 0 : i32
      %dma_start3A_197 = tpu.memref_slice %arg8[%add3A_189, %dma_start3A_196] : memref<56x128xi32, #tpu.memory_space<vmem>> -> memref<1x128xi32, #tpu.memory_space<vmem>>
      %dma_start3A_198 = tpu.memref_squeeze %dma_start3A_197 : memref<1x128xi32, #tpu.memory_space<vmem>> -> memref<128xi32, #tpu.memory_space<vmem>>
      %dma_start3A_199 = arith.constant 0 : i32
      %dma_start3A_200 = arith.constant 0 : i32
      %dma_start3A_201 = tpu.memref_slice %arg11[%dma_start3A_199, %dma_start3A_200] : memref<10112x128xf32, #tpu.memory_space<vmem_shared>> -> memref<10112x128xf32, #tpu.memory_space<vmem_shared>>
      tpu.enqueue_indirect_dma source(%arg9 : memref<128x128xf32, #tpu.memory_space<vmem>>) target(%dma_start3A_201 : memref<10112x128xf32, #tpu.memory_space<vmem_shared>>) offsets(%dma_start3A_198 : memref<128xi32, #tpu.memory_space<vmem>>) semaphore(%arg14 : memref<!tpu.dma_semaphore, #tpu.memory_space<semaphore_mem>>) {add = true}
      %mul3A_202 = arith.constant 2 : i32
      %mul3A_203 = arith.muli %while3A_185, %mul3A_202 : i32
      %add3A_204 = arith.constant 1 : i32
      %add3A_205 = arith.addi %mul3A_203, %add3A_204 : i32
      %dma_wait3A_206 = arith.constant 0 : i32
      %dma_wait3A_207 = tpu.memref_slice %arg7[%add3A_205, %dma_wait3A_206] : memref<56x128xi32, #tpu.memory_space<vmem>> -> memref<1x128xi32, #tpu.memory_space<vmem>>
      %dma_wait3A_208 = tpu.memref_squeeze %dma_wait3A_207 : memref<1x128xi32, #tpu.memory_space<vmem>> -> memref<128xi32, #tpu.memory_space<vmem>>
      %dma_wait3A_209 = arith.constant 0 : i32
      %dma_wait3A_210 = arith.constant 0 : i32
      %dma_wait3A_211 = tpu.memref_slice %arg4[%dma_wait3A_209, %dma_wait3A_210] : memref<10000x128xf32, #tpu.memory_space<hbm>> -> memref<10000x128xf32, #tpu.memory_space<hbm>>
      tpu.wait_indirect_dma semaphore(%arg13 : memref<!tpu.dma_semaphore, #tpu.memory_space<semaphore_mem>>) src(%dma_wait3A_211 : memref<10000x128xf32, #tpu.memory_space<hbm>>) dst(%arg10 : memref<128x128xf32, #tpu.memory_space<vmem>>)
      %dma_start3A_212 = arith.constant 0 : i32
      %dma_start3A_213 = tpu.memref_slice %arg8[%add3A_205, %dma_start3A_212] : memref<56x128xi32, #tpu.memory_space<vmem>> -> memref<1x128xi32, #tpu.memory_space<vmem>>
      %dma_start3A_214 = tpu.memref_squeeze %dma_start3A_213 : memref<1x128xi32, #tpu.memory_space<vmem>> -> memref<128xi32, #tpu.memory_space<vmem>>
      %dma_start3A_215 = arith.constant 0 : i32
      %dma_start3A_216 = arith.constant 0 : i32
      %dma_start3A_217 = tpu.memref_slice %arg11[%dma_start3A_215, %dma_start3A_216] : memref<10112x128xf32, #tpu.memory_space<vmem_shared>> -> memref<10112x128xf32, #tpu.memory_space<vmem_shared>>
      tpu.enqueue_indirect_dma source(%arg10 : memref<128x128xf32, #tpu.memory_space<vmem>>) target(%dma_start3A_217 : memref<10112x128xf32, #tpu.memory_space<vmem_shared>>) offsets(%dma_start3A_214 : memref<128xi32, #tpu.memory_space<vmem>>) semaphore(%arg15 : memref<!tpu.dma_semaphore, #tpu.memory_space<semaphore_mem>>) {add = true}
      %mul3A_218 = arith.constant 2 : i32
      %mul3A_219 = arith.muli %while3A_185, %mul3A_218 : i32
      %add3A_220 = arith.constant 0 : i32
      %add3A_221 = arith.addi %mul3A_219, %add3A_220 : i32
      %add3A_222 = arith.constant 2 : i32
      %add3A_223 = arith.addi %add3A_221, %add3A_222 : i32
      %dma_wait3A_224 = arith.constant 0 : i32
      %dma_wait3A_225 = arith.constant 0 : i32
      %dma_wait3A_226 = tpu.memref_slice %arg8[%dma_wait3A_224, %dma_wait3A_225] : memref<56x128xi32, #tpu.memory_space<vmem>> -> memref<1x128xi32, #tpu.memory_space<vmem>>
      %dma_wait3A_227 = tpu.memref_squeeze %dma_wait3A_226 : memref<1x128xi32, #tpu.memory_space<vmem>> -> memref<128xi32, #tpu.memory_space<vmem>>
      %dma_wait3A_228 = arith.constant 0 : i32
      %dma_wait3A_229 = arith.constant 0 : i32
      %dma_wait3A_230 = tpu.memref_slice %arg11[%dma_wait3A_228, %dma_wait3A_229] : memref<10112x128xf32, #tpu.memory_space<vmem_shared>> -> memref<10112x128xf32, #tpu.memory_space<vmem_shared>>
      tpu.wait_indirect_dma semaphore(%arg14 : memref<!tpu.dma_semaphore, #tpu.memory_space<semaphore_mem>>) src(%arg9 : memref<128x128xf32, #tpu.memory_space<vmem>>) dst(%dma_wait3A_230 : memref<10112x128xf32, #tpu.memory_space<vmem_shared>>)
      %dma_start3A_231 = arith.constant 0 : i32
      %dma_start3A_232 = tpu.memref_slice %arg7[%add3A_223, %dma_start3A_231] : memref<56x128xi32, #tpu.memory_space<vmem>> -> memref<1x128xi32, #tpu.memory_space<vmem>>
      %dma_start3A_233 = tpu.memref_squeeze %dma_start3A_232 : memref<1x128xi32, #tpu.memory_space<vmem>> -> memref<128xi32, #tpu.memory_space<vmem>>
      %dma_start3A_234 = arith.constant 0 : i32
      %dma_start3A_235 = arith.constant 0 : i32
      %dma_start3A_236 = tpu.memref_slice %arg4[%dma_start3A_234, %dma_start3A_235] : memref<10000x128xf32, #tpu.memory_space<hbm>> -> memref<10000x128xf32, #tpu.memory_space<hbm>>
      tpu.enqueue_indirect_dma source(%dma_start3A_236 : memref<10000x128xf32, #tpu.memory_space<hbm>>) target(%arg9 : memref<128x128xf32, #tpu.memory_space<vmem>>) offsets(%dma_start3A_233 : memref<128xi32, #tpu.memory_space<vmem>>) semaphore(%arg12 : memref<!tpu.dma_semaphore, #tpu.memory_space<semaphore_mem>>)
      %mul3A_237 = arith.constant 2 : i32
      %mul3A_238 = arith.muli %while3A_185, %mul3A_237 : i32
      %add3A_239 = arith.constant 1 : i32
      %add3A_240 = arith.addi %mul3A_238, %add3A_239 : i32
      %add3A_241 = arith.constant 2 : i32
      %add3A_242 = arith.addi %add3A_240, %add3A_241 : i32
      %dma_wait3A_243 = arith.constant 0 : i32
      %dma_wait3A_244 = arith.constant 0 : i32
      %dma_wait3A_245 = tpu.memref_slice %arg8[%dma_wait3A_243, %dma_wait3A_244] : memref<56x128xi32, #tpu.memory_space<vmem>> -> memref<1x128xi32, #tpu.memory_space<vmem>>
      %dma_wait3A_246 = tpu.memref_squeeze %dma_wait3A_245 : memref<1x128xi32, #tpu.memory_space<vmem>> -> memref<128xi32, #tpu.memory_space<vmem>>
      %dma_wait3A_247 = arith.constant 0 : i32
      %dma_wait3A_248 = arith.constant 0 : i32
      %dma_wait3A_249 = tpu.memref_slice %arg11[%dma_wait3A_247, %dma_wait3A_248] : memref<10112x128xf32, #tpu.memory_space<vmem_shared>> -> memref<10112x128xf32, #tpu.memory_space<vmem_shared>>
      tpu.wait_indirect_dma semaphore(%arg15 : memref<!tpu.dma_semaphore, #tpu.memory_space<semaphore_mem>>) src(%arg10 : memref<128x128xf32, #tpu.memory_space<vmem>>) dst(%dma_wait3A_249 : memref<10112x128xf32, #tpu.memory_space<vmem_shared>>)
      %dma_start3A_250 = arith.constant 0 : i32
      %dma_start3A_251 = tpu.memref_slice %arg7[%add3A_242, %dma_start3A_250] : memref<56x128xi32, #tpu.memory_space<vmem>> -> memref<1x128xi32, #tpu.memory_space<vmem>>
      %dma_start3A_252 = tpu.memref_squeeze %dma_start3A_251 : memref<1x128xi32, #tpu.memory_space<vmem>> -> memref<128xi32, #tpu.memory_space<vmem>>
      %dma_start3A_253 = arith.constant 0 : i32
      %dma_start3A_254 = arith.constant 0 : i32
      %dma_start3A_255 = tpu.memref_slice %arg4[%dma_start3A_253, %dma_start3A_254] : memref<10000x128xf32, #tpu.memory_space<hbm>> -> memref<10000x128xf32, #tpu.memory_space<hbm>>
      tpu.enqueue_indirect_dma source(%dma_start3A_255 : memref<10000x128xf32, #tpu.memory_space<hbm>>) target(%arg10 : memref<128x128xf32, #tpu.memory_space<vmem>>) offsets(%dma_start3A_252 : memref<128xi32, #tpu.memory_space<vmem>>) semaphore(%arg13 : memref<!tpu.dma_semaphore, #tpu.memory_space<semaphore_mem>>)
    }
    %sub3A_134 = arith.constant 1 : i32
    %sub3A_135 = arith.subi %select_n3A_28, %sub3A_134 : i32
    %mul3A_136 = arith.constant 2 : i32
    %mul3A_137 = arith.muli %sub3A_135, %mul3A_136 : i32
    %add3A_138 = arith.constant 0 : i32
    %add3A_139 = arith.addi %mul3A_137, %add3A_138 : i32
    %dma_wait3A_140 = arith.constant 0 : i32
    %dma_wait3A_141 = tpu.memref_slice %arg7[%add3A_139, %dma_wait3A_140] : memref<56x128xi32, #tpu.memory_space<vmem>> -> memref<1x128xi32, #tpu.memory_space<vmem>>
    %dma_wait3A_142 = tpu.memref_squeeze %dma_wait3A_141 : memref<1x128xi32, #tpu.memory_space<vmem>> -> memref<128xi32, #tpu.memory_space<vmem>>
    %dma_wait3A_143 = arith.constant 0 : i32
    %dma_wait3A_144 = arith.constant 0 : i32
    %dma_wait3A_145 = tpu.memref_slice %arg4[%dma_wait3A_143, %dma_wait3A_144] : memref<10000x128xf32, #tpu.memory_space<hbm>> -> memref<10000x128xf32, #tpu.memory_space<hbm>>
    tpu.wait_indirect_dma semaphore(%arg12 : memref<!tpu.dma_semaphore, #tpu.memory_space<semaphore_mem>>) src(%dma_wait3A_145 : memref<10000x128xf32, #tpu.memory_space<hbm>>) dst(%arg9 : memref<128x128xf32, #tpu.memory_space<vmem>>)
    %dma_start3A_146 = arith.constant 0 : i32
    %dma_start3A_147 = tpu.memref_slice %arg8[%add3A_139, %dma_start3A_146] : memref<56x128xi32, #tpu.memory_space<vmem>> -> memref<1x128xi32, #tpu.memory_space<vmem>>
    %dma_start3A_148 = tpu.memref_squeeze %dma_start3A_147 : memref<1x128xi32, #tpu.memory_space<vmem>> -> memref<128xi32, #tpu.memory_space<vmem>>
    %dma_start3A_149 = arith.constant 0 : i32
    %dma_start3A_150 = arith.constant 0 : i32
    %dma_start3A_151 = tpu.memref_slice %arg11[%dma_start3A_149, %dma_start3A_150] : memref<10112x128xf32, #tpu.memory_space<vmem_shared>> -> memref<10112x128xf32, #tpu.memory_space<vmem_shared>>
    tpu.enqueue_indirect_dma source(%arg9 : memref<128x128xf32, #tpu.memory_space<vmem>>) target(%dma_start3A_151 : memref<10112x128xf32, #tpu.memory_space<vmem_shared>>) offsets(%dma_start3A_148 : memref<128xi32, #tpu.memory_space<vmem>>) semaphore(%arg14 : memref<!tpu.dma_semaphore, #tpu.memory_space<semaphore_mem>>) {add = true}
    %sub3A_152 = arith.constant 1 : i32
    %sub3A_153 = arith.subi %select_n3A_28, %sub3A_152 : i32
    %mul3A_154 = arith.constant 2 : i32
    %mul3A_155 = arith.muli %sub3A_153, %mul3A_154 : i32
    %add3A_156 = arith.constant 1 : i32
    %add3A_157 = arith.addi %mul3A_155, %add3A_156 : i32
    %dma_wait3A_158 = arith.constant 0 : i32
    %dma_wait3A_159 = tpu.memref_slice %arg7[%add3A_157, %dma_wait3A_158] : memref<56x128xi32, #tpu.memory_space<vmem>> -> memref<1x128xi32, #tpu.memory_space<vmem>>
    %dma_wait3A_160 = tpu.memref_squeeze %dma_wait3A_159 : memref<1x128xi32, #tpu.memory_space<vmem>> -> memref<128xi32, #tpu.memory_space<vmem>>
    %dma_wait3A_161 = arith.constant 0 : i32
    %dma_wait3A_162 = arith.constant 0 : i32
    %dma_wait3A_163 = tpu.memref_slice %arg4[%dma_wait3A_161, %dma_wait3A_162] : memref<10000x128xf32, #tpu.memory_space<hbm>> -> memref<10000x128xf32, #tpu.memory_space<hbm>>
    tpu.wait_indirect_dma semaphore(%arg13 : memref<!tpu.dma_semaphore, #tpu.memory_space<semaphore_mem>>) src(%dma_wait3A_163 : memref<10000x128xf32, #tpu.memory_space<hbm>>) dst(%arg10 : memref<128x128xf32, #tpu.memory_space<vmem>>)
    %dma_start3A_164 = arith.constant 0 : i32
    %dma_start3A_165 = tpu.memref_slice %arg8[%add3A_157, %dma_start3A_164] : memref<56x128xi32, #tpu.memory_space<vmem>> -> memref<1x128xi32, #tpu.memory_space<vmem>>
    %dma_start3A_166 = tpu.memref_squeeze %dma_start3A_165 : memref<1x128xi32, #tpu.memory_space<vmem>> -> memref<128xi32, #tpu.memory_space<vmem>>
    %dma_start3A_167 = arith.constant 0 : i32
    %dma_start3A_168 = arith.constant 0 : i32
    %dma_start3A_169 = tpu.memref_slice %arg11[%dma_start3A_167, %dma_start3A_168] : memref<10112x128xf32, #tpu.memory_space<vmem_shared>> -> memref<10112x128xf32, #tpu.memory_space<vmem_shared>>
    tpu.enqueue_indirect_dma source(%arg10 : memref<128x128xf32, #tpu.memory_space<vmem>>) target(%dma_start3A_169 : memref<10112x128xf32, #tpu.memory_space<vmem_shared>>) offsets(%dma_start3A_166 : memref<128xi32, #tpu.memory_space<vmem>>) semaphore(%arg15 : memref<!tpu.dma_semaphore, #tpu.memory_space<semaphore_mem>>) {add = true}
    %dma_wait3A_170 = arith.constant 0 : i32
    %dma_wait3A_171 = arith.constant 0 : i32
    %dma_wait3A_172 = tpu.memref_slice %arg8[%dma_wait3A_170, %dma_wait3A_171] : memref<56x128xi32, #tpu.memory_space<vmem>> -> memref<1x128xi32, #tpu.memory_space<vmem>>
    %dma_wait3A_173 = tpu.memref_squeeze %dma_wait3A_172 : memref<1x128xi32, #tpu.memory_space<vmem>> -> memref<128xi32, #tpu.memory_space<vmem>>
    %dma_wait3A_174 = arith.constant 0 : i32
    %dma_wait3A_175 = arith.constant 0 : i32
    %dma_wait3A_176 = tpu.memref_slice %arg11[%dma_wait3A_174, %dma_wait3A_175] : memref<10112x128xf32, #tpu.memory_space<vmem_shared>> -> memref<10112x128xf32, #tpu.memory_space<vmem_shared>>
    tpu.wait_indirect_dma semaphore(%arg14 : memref<!tpu.dma_semaphore, #tpu.memory_space<semaphore_mem>>) src(%arg9 : memref<128x128xf32, #tpu.memory_space<vmem>>) dst(%dma_wait3A_176 : memref<10112x128xf32, #tpu.memory_space<vmem_shared>>)
    %dma_wait3A_177 = arith.constant 0 : i32
    %dma_wait3A_178 = arith.constant 0 : i32
    %dma_wait3A_179 = tpu.memref_slice %arg8[%dma_wait3A_177, %dma_wait3A_178] : memref<56x128xi32, #tpu.memory_space<vmem>> -> memref<1x128xi32, #tpu.memory_space<vmem>>
    %dma_wait3A_180 = tpu.memref_squeeze %dma_wait3A_179 : memref<1x128xi32, #tpu.memory_space<vmem>> -> memref<128xi32, #tpu.memory_space<vmem>>
    %dma_wait3A_181 = arith.constant 0 : i32
    %dma_wait3A_182 = arith.constant 0 : i32
    %dma_wait3A_183 = tpu.memref_slice %arg11[%dma_wait3A_181, %dma_wait3A_182] : memref<10112x128xf32, #tpu.memory_space<vmem_shared>> -> memref<10112x128xf32, #tpu.memory_space<vmem_shared>>
    tpu.wait_indirect_dma semaphore(%arg15 : memref<!tpu.dma_semaphore, #tpu.memory_space<semaphore_mem>>) src(%arg10 : memref<128x128xf32, #tpu.memory_space<vmem>>) dst(%dma_wait3A_183 : memref<10112x128xf32, #tpu.memory_space<vmem_shared>>)
    %barrier3A_184 = arith.constant 0 : index
    tpu.barrier barrier_id(%barrier3A_184)
    "tpu.region"() ({
      %run_scoped3A = tpu.sem_alloc : memref<!tpu.dma_semaphore, #tpu.memory_space<semaphore_mem>>
      %dma_start3A_185 = arith.constant 0 : i32
      %dma_start3A_186 = tpu.memref_slice %arg6[%arg0, %mul3A_0, %dma_start3A_185] : memref<2x10112x128xf32, #tpu.memory_space<hbm>> -> memref<1x632x128xf32, #tpu.memory_space<hbm>>
      %dma_start3A_187 = tpu.memref_squeeze %dma_start3A_186 : memref<1x632x128xf32, #tpu.memory_space<hbm>> -> memref<632x128xf32, #tpu.memory_space<hbm>>
      %dma_start3A_188 = arith.constant 0 : i32
      %dma_start3A_189 = tpu.memref_slice %arg11[%mul3A_0, %dma_start3A_188] : memref<10112x128xf32, #tpu.memory_space<vmem_shared>> -> memref<632x128xf32, #tpu.memory_space<vmem_shared>>
      tpu.enqueue_dma source(%dma_start3A_189 : memref<632x128xf32, #tpu.memory_space<vmem_shared>>) target(%dma_start3A_187 : memref<632x128xf32, #tpu.memory_space<hbm>>) target_semaphore(%run_scoped3A : memref<!tpu.dma_semaphore, #tpu.memory_space<semaphore_mem>>)
      %dma_wait3A_190 = arith.constant 0 : i32
      %dma_wait3A_191 = tpu.memref_slice %arg6[%arg0, %mul3A_0, %dma_wait3A_190] : memref<2x10112x128xf32, #tpu.memory_space<hbm>> -> memref<1x632x128xf32, #tpu.memory_space<hbm>>
      %dma_wait3A_192 = tpu.memref_squeeze %dma_wait3A_191 : memref<1x632x128xf32, #tpu.memory_space<hbm>> -> memref<632x128xf32, #tpu.memory_space<hbm>>
      %dma_wait3A_193 = arith.constant 0 : i32
      %dma_wait3A_194 = tpu.memref_slice %arg11[%mul3A_0, %dma_wait3A_193] : memref<10112x128xf32, #tpu.memory_space<vmem_shared>> -> memref<632x128xf32, #tpu.memory_space<vmem_shared>>
      tpu.wait_dma2 semaphore(%run_scoped3A : memref<!tpu.dma_semaphore, #tpu.memory_space<semaphore_mem>>) src(%dma_wait3A_194 : memref<632x128xf32, #tpu.memory_space<vmem_shared>>) dst(%dma_wait3A_192 : memref<632x128xf32, #tpu.memory_space<hbm>>)
      tpu.yield
    }) : () -> ()
    return
  }
}

module attributes {stable_mosaic.version = 14 : i64} {
  func.func @_mm_body(%arg0: i32, %arg1: memref<2000x128xf32, #tpu.memory_space<vmem>>, %arg2: memref<128x128xf32, #tpu.memory_space<vmem>>, %arg3: memref<2000x128xf32, #tpu.memory_space<vmem>>) attributes {dimension_semantics = [#tpu.dimension_semantics<arbitrary>], iteration_bounds = array<i64: 5>, scalar_prefetch = 0 : i64, scratch_operands = 0 : i64, tpu.core_type = #tpu.core_type<tc>, window_params = [{transform_indices = @transform_0, window_bounds = array<i64: 2000, 128>}, {pipeline_mode = #tpu.pipeline_mode<synchronous>, transform_indices = @transform_1, window_bounds = array<i64: 128, 128>}, {transform_indices = @transform_2, window_bounds = array<i64: 2000, 128>}]} {
    %get3A = arith.constant 0 : index
    %get3A_0 = arith.constant 0 : index
    %get3A_1 = vector.load %arg1[%get3A, %get3A_0] : memref<2000x128xf32, #tpu.memory_space<vmem>>, vector<2000x128xf32>
    %get3A_2 = arith.constant 0 : index
    %get3A_3 = arith.constant 0 : index
    %get3A_4 = vector.load %arg2[%get3A_2, %get3A_3] : memref<128x128xf32, #tpu.memory_space<vmem>>, vector<128x128xf32>
    %dot_general3A = arith.constant dense<0.000000e+00> : vector<2000x128xf32>
    %dot_general3A_5 = tpu.matmul %get3A_1, %get3A_4, %dot_general3A {dimension_numbers = #tpu.dot_dimension_numbers<[1], [0], [0], [1], [0, 0, 1, 1], [], []>, transpose_lhs_hint = false} : vector<2000x128xf32>, vector<128x128xf32>, vector<2000x128xf32> -> vector<2000x128xf32>
    %swap3A = arith.constant 0 : index
    %swap3A_6 = arith.constant 0 : index
    %swap3A_7 = vector.load %arg3[%swap3A, %swap3A_6] : memref<2000x128xf32, #tpu.memory_space<vmem>>, vector<2000x128xf32>
    tpu.vector_store %arg3[%swap3A, %swap3A_6], %dot_general3A_5 {strides = array<i32>} : memref<2000x128xf32, #tpu.memory_space<vmem>>, vector<2000x128xf32>,
    return
  }
  func.func @transform_0(%arg0: i32) -> (i32, i32) {
    %c0_i32 = arith.constant 0 : i32
    %c0_i32_0 = arith.constant 0 : i32
    return %arg0, %c0_i32 : i32, i32
  }
  func.func @transform_1(%arg0: i32) -> (i32, i32) {
    %c0_i32 = arith.constant 0 : i32
    %c0_i32_0 = arith.constant 0 : i32
    %c0_i32_1 = arith.constant 0 : i32
    return %c0_i32, %c0_i32_0 : i32, i32
  }
  func.func @transform_2(%arg0: i32) -> (i32, i32) {
    %c0_i32 = arith.constant 0 : i32
    %c0_i32_0 = arith.constant 0 : i32
    return %arg0, %c0_i32 : i32, i32
  }
}

module attributes {stable_mosaic.version = 14 : i64} {
  func.func @_mid_body(%arg0: i32, %arg1: memref<2x2000x128xf32, #tpu.memory_space<vmem>>, %arg2: memref<1x128xf32, #tpu.memory_space<vmem>>, %arg3: memref<128x128xf32, #tpu.memory_space<vmem>>, %arg4: memref<2000x128xf32, #tpu.memory_space<vmem>>) attributes {dimension_semantics = [#tpu.dimension_semantics<arbitrary>], iteration_bounds = array<i64: 5>, scalar_prefetch = 0 : i64, scratch_operands = 0 : i64, tpu.core_type = #tpu.core_type<tc>, window_params = [{transform_indices = @transform_0, window_bounds = array<i64: 2, 2000, 128>}, {pipeline_mode = #tpu.pipeline_mode<synchronous>, transform_indices = @transform_1, window_bounds = array<i64: 1, 128>}, {pipeline_mode = #tpu.pipeline_mode<synchronous>, transform_indices = @transform_2, window_bounds = array<i64: 128, 128>}, {transform_indices = @transform_3, window_bounds = array<i64: 2000, 128>}]} {
    %get3A = arith.constant 0 : index
    %get3A_0 = arith.constant 0 : index
    %get3A_1 = arith.constant 0 : index
    %get3A_2 = vector.load %arg1[%get3A, %get3A_0, %get3A_1] : memref<2x2000x128xf32, #tpu.memory_space<vmem>>, vector<1x2000x128xf32>
    %get3A_3 = vector.shape_cast %get3A_2 : vector<1x2000x128xf32> to vector<2000x128xf32>
    %get3A_4 = arith.constant 1 : index
    %get3A_5 = arith.constant 0 : index
    %get3A_6 = arith.constant 0 : index
    %get3A_7 = vector.load %arg1[%get3A_4, %get3A_5, %get3A_6] : memref<2x2000x128xf32, #tpu.memory_space<vmem>>, vector<1x2000x128xf32>
    %get3A_8 = vector.shape_cast %get3A_7 : vector<1x2000x128xf32> to vector<2000x128xf32>
    %add3A = arith.addf %get3A_3, %get3A_8 : vector<2000x128xf32>
    %get3A_9 = arith.constant 0 : index
    %get3A_10 = arith.constant 0 : index
    %get3A_11 = vector.load %arg2[%get3A_9, %get3A_10] : memref<1x128xf32, #tpu.memory_space<vmem>>, vector<1x128xf32>
    %add3A_12 = vector.broadcast %get3A_11 : vector<1x128xf32> to vector<2000x128xf32>
    %add3A_13 = arith.addf %add3A, %add3A_12 : vector<2000x128xf32>
    %max3A = arith.constant 0.000000e+00 : f32
    %max3A_14 = vector.broadcast %max3A : f32 to vector<2000x128xf32>
    %max3A_15 = arith.maximumf %add3A_13, %max3A_14 : vector<2000x128xf32>
    %get3A_16 = arith.constant 0 : index
    %get3A_17 = arith.constant 0 : index
    %get3A_18 = vector.load %arg3[%get3A_16, %get3A_17] : memref<128x128xf32, #tpu.memory_space<vmem>>, vector<128x128xf32>
    %dot_general3A = arith.constant dense<0.000000e+00> : vector<2000x128xf32>
    %dot_general3A_19 = tpu.matmul %max3A_15, %get3A_18, %dot_general3A {dimension_numbers = #tpu.dot_dimension_numbers<[1], [0], [0], [1], [0, 0, 1, 1], [], []>, transpose_lhs_hint = false} : vector<2000x128xf32>, vector<128x128xf32>, vector<2000x128xf32> -> vector<2000x128xf32>
    %swap3A = arith.constant 0 : index
    %swap3A_20 = arith.constant 0 : index
    %swap3A_21 = vector.load %arg4[%swap3A, %swap3A_20] : memref<2000x128xf32, #tpu.memory_space<vmem>>, vector<2000x128xf32>
    tpu.vector_store %arg4[%swap3A, %swap3A_20], %dot_general3A_19 {strides = array<i32>} : memref<2000x128xf32, #tpu.memory_space<vmem>>, vector<2000x128xf32>,
    return
  }
  func.func @transform_0(%arg0: i32) -> (i32, i32, i32) {
    %c0_i32 = arith.constant 0 : i32
    %c0_i32_0 = arith.constant 0 : i32
    %c0_i32_1 = arith.constant 0 : i32
    return %c0_i32, %arg0, %c0_i32_0 : i32, i32, i32
  }
  func.func @transform_1(%arg0: i32) -> (i32, i32) {
    %c0_i32 = arith.constant 0 : i32
    %c0_i32_0 = arith.constant 0 : i32
    %c0_i32_1 = arith.constant 0 : i32
    return %c0_i32, %c0_i32_0 : i32, i32
  }
  func.func @transform_2(%arg0: i32) -> (i32, i32) {
    %c0_i32 = arith.constant 0 : i32
    %c0_i32_0 = arith.constant 0 : i32
    %c0_i32_1 = arith.constant 0 : i32
    return %c0_i32, %c0_i32_0 : i32, i32
  }
  func.func @transform_3(%arg0: i32) -> (i32, i32) {
    %c0_i32 = arith.constant 0 : i32
    %c0_i32_0 = arith.constant 0 : i32
    return %arg0, %c0_i32 : i32, i32
  }
}

module attributes {stable_mosaic.version = 14 : i64} {
  func.func @_fin_body(%arg0: i32, %arg1: memref<2x2000x128xf32, #tpu.memory_space<vmem>>, %arg2: memref<1x128xf32, #tpu.memory_space<vmem>>, %arg3: memref<2000x128xf32, #tpu.memory_space<vmem>>, %arg4: memref<2000x128xf32, #tpu.memory_space<vmem>>) attributes {dimension_semantics = [#tpu.dimension_semantics<arbitrary>], iteration_bounds = array<i64: 5>, scalar_prefetch = 0 : i64, scratch_operands = 0 : i64, tpu.core_type = #tpu.core_type<tc>, window_params = [{transform_indices = @transform_0, window_bounds = array<i64: 2, 2000, 128>}, {pipeline_mode = #tpu.pipeline_mode<synchronous>, transform_indices = @transform_1, window_bounds = array<i64: 1, 128>}, {transform_indices = @transform_2, window_bounds = array<i64: 2000, 128>}, {transform_indices = @transform_3, window_bounds = array<i64: 2000, 128>}]} {
    %get3A = arith.constant 0 : index
    %get3A_0 = arith.constant 0 : index
    %get3A_1 = arith.constant 0 : index
    %get3A_2 = vector.load %arg1[%get3A, %get3A_0, %get3A_1] : memref<2x2000x128xf32, #tpu.memory_space<vmem>>, vector<1x2000x128xf32>
    %get3A_3 = vector.shape_cast %get3A_2 : vector<1x2000x128xf32> to vector<2000x128xf32>
    %get3A_4 = arith.constant 1 : index
    %get3A_5 = arith.constant 0 : index
    %get3A_6 = arith.constant 0 : index
    %get3A_7 = vector.load %arg1[%get3A_4, %get3A_5, %get3A_6] : memref<2x2000x128xf32, #tpu.memory_space<vmem>>, vector<1x2000x128xf32>
    %get3A_8 = vector.shape_cast %get3A_7 : vector<1x2000x128xf32> to vector<2000x128xf32>
    %add3A = arith.addf %get3A_3, %get3A_8 : vector<2000x128xf32>
    %get3A_9 = arith.constant 0 : index
    %get3A_10 = arith.constant 0 : index
    %get3A_11 = vector.load %arg2[%get3A_9, %get3A_10] : memref<1x128xf32, #tpu.memory_space<vmem>>, vector<1x128xf32>
    %add3A_12 = vector.broadcast %get3A_11 : vector<1x128xf32> to vector<2000x128xf32>
    %add3A_13 = arith.addf %add3A, %add3A_12 : vector<2000x128xf32>
    %max3A = arith.constant 0.000000e+00 : f32
    %max3A_14 = vector.broadcast %max3A : f32 to vector<2000x128xf32>
    %max3A_15 = arith.maximumf %add3A_13, %max3A_14 : vector<2000x128xf32>
    %get3A_16 = arith.constant 0 : index
    %get3A_17 = arith.constant 0 : index
    %get3A_18 = vector.load %arg3[%get3A_16, %get3A_17] : memref<2000x128xf32, #tpu.memory_space<vmem>>, vector<2000x128xf32>
    %add3A_19 = arith.addf %max3A_15, %get3A_18 : vector<2000x128xf32>
    %mul3A = arith.constant 5.000000e-01 : f32
    %mul3A_20 = vector.broadcast %mul3A : f32 to vector<2000x128xf32>
    %mul3A_21 = arith.mulf %add3A_19, %mul3A_20 : vector<2000x128xf32>
    %swap3A = arith.constant 0 : index
    %swap3A_22 = arith.constant 0 : index
    %swap3A_23 = vector.load %arg4[%swap3A, %swap3A_22] : memref<2000x128xf32, #tpu.memory_space<vmem>>, vector<2000x128xf32>
    tpu.vector_store %arg4[%swap3A, %swap3A_22], %mul3A_21 {strides = array<i32>} : memref<2000x128xf32, #tpu.memory_space<vmem>>, vector<2000x128xf32>,
    return
  }
  func.func @transform_0(%arg0: i32) -> (i32, i32, i32) {
    %c0_i32 = arith.constant 0 : i32
    %c0_i32_0 = arith.constant 0 : i32
    %c0_i32_1 = arith.constant 0 : i32
    return %c0_i32, %arg0, %c0_i32_0 : i32, i32, i32
  }
  func.func @transform_1(%arg0: i32) -> (i32, i32) {
    %c0_i32 = arith.constant 0 : i32
    %c0_i32_0 = arith.constant 0 : i32
    %c0_i32_1 = arith.constant 0 : i32
    return %c0_i32, %c0_i32_0 : i32, i32
  }
  func.func @transform_2(%arg0: i32) -> (i32, i32) {
    %c0_i32 = arith.constant 0 : i32
    %c0_i32_0 = arith.constant 0 : i32
    return %arg0, %c0_i32 : i32, i32
  }
  func.func @transform_3(%arg0: i32) -> (i32, i32) {
    %c0_i32 = arith.constant 0 : i32
    %c0_i32_0 = arith.constant 0 : i32
    return %arg0, %c0_i32 : i32, i32
  }
}

</mosaic_0001>

<sc_bundles>
// kernel: kernel.10.cloned.1.call-start
scs
__scs_entry_jumppad:
0x0: {  	(pc) =	sbr.rel $0x88, $3  }
0x1: {  	(tag) =	ssettag $0x0;
	lr =	simm.s32 $0x1  }
0x2: {  	[smem:$0x3F9B] =	sst lr;
	_ =	strace $0xD0000000  }
0x3: {  	_ = 	snop  }
0x4: {  	_ = 	snop  }
0x5: {  	_ = 	snop  }
0x6: {  	_ = 	snop  }
0x7: {  	_ = 	snop  }
__scs_overlays_trampoline_lowered:
0x8: {  	[smem:$0x3FAA] =	sst s0  }
0x9: {  	[smem:$0x3FAB] =	sst s1  }
0xa: {  	[smem:$0x3FAC] =	sst s2  }
0xb: {  	[smem:$0x3FAD] =	sst s3  }
0xc: {  	[smem:$0x3FAE] =	sst s4  }
0xd: {  	[smem:$0x3FAF] =	sst s5  }
0xe: {  	[smem:$0x3FB0] =	sst s6  }
0xf: {  	[smem:$0x3FB1] =	sst s7  }
0x10: {  	[smem:$0x3FB2] =	sst s8  }
0x11: {  	[smem:$0x3FB3] =	sst s9;
	s0 =	simm.s32 @!p0 $0x0  }
0x12: {  	s1 =	sld [smem:$0x3F99];
	s0 =	simm.s32 @p0 $0x1  }
0x13: {  	[smem:$0x3FB4] =	sst s0;
	s0 =	simm.s32 @!p1 $0x0  }
0x14: {  	s2 =	sld [smem:$0x3F98];
	s0 =	simm.s32 @p1 $0x1  }
0x15: {  	[smem:$0x3FB5] =	sst s0;
	s0 =	simm.s32 @!p2 $0x0  }
0x16: {  	s3 =	sld [smem:$0x3FDB];
	s0 =	simm.s32 @p2 $0x1  }
0x17: {  	s4 =	simm.s32 $0x1BF5;
	[smem:$0x3FB7] =	sst s0  }
0x18: {  	s0 =	sld [smem:$0x3F9A];
	_ =	swait.ge [sflag:s4], $0x0  }
0x19: {  	s7 =	sld [smem:$0x3F9B]  }
0x1a: {  	s8 =	sadd.s32 $0xFFFFE003, lr  }
0x1b: {  	s9 =	sadd.s32 $0xFFFFFEF7, lr;
	s5 =	simm.s32 $0xFFFFFFFF;
	p2 =	slt.u32 s8, $0xFFFFF086  }
0x1c: {  	p1 =	slt.u32 s9, $0xF7A;
	s5 =	simm.s32 @!p2 $0x0  }
0x1d: {  	s5 =	simm.s32 @p1 $0x1;
	p0 =	seq.s32 s7, s2  }
0x1e: {  	s7 =	smul.u32 @!p0 $0xF7A, s2;
	p2 =	seq.s32 @!p0 s5, $0x0  }
0x1f: {  	s9 =	smul.u32 $0xF7A, s1;
	s8 =	simm.s32 @!p0 $0x1BF5;
	p2 =	por !p2, p0  }
0x20: {  	[sflag:s8] =	ssyncset.s32 @!p0 $0xFFFFF086;
	s6 =	sadd.s32 @!p0 s3, s7;
	s7 =	simm.s32 @!p0 $0x108  }
0x21: {  	s3 =	sadd.s32 s3, s9;
	s6 =	sadd.s32 @!p0 $0x88, s6;
	s7 =	simm.s32 @p2 $0x1082  }
0x22: {  	[simem:s7], [sflag:s8] =	dma.local @!p0 [hbm:s6], $0xF7A  }
0x23: {  	s9 =	sor.u32 $0xD0000000, s2;
	s6 =	simm.s32 $0x108;
	_ =	swait.ge @!p0 [sflag:s8], $0x0  }
0x24: {  	s3 =	sadd.s32 $0x88, s3;
	s6 =	simm.s32 @!p1 $0x1082;
	[sflag:s4] =	ssyncset.s32 $0xFFFFF086  }
0x25: {  	[simem:s6], [sflag:s4] =	dma.local [hbm:s3], $0xF7A  }
0x26: {  	[smem:$0x3F9B] =	sst s1;
	(tag) =	ssettag s2;
	_ =	strace s9  }
0x27: {  	s1 =	sld [smem:$0x3FAB]  }
0x28: {  	s2 =	sld [smem:$0x3FAC]  }
0x29: {  	s4 =	sld [smem:$0x3FAE]  }
0x2a: {  	p0 =	seq.s32 s5, $0x0;
	s5 =	sld [smem:$0x3FAF]  }
0x2b: {  	s6 =	sld [smem:$0x3FB0]  }
0x2c: {  	s7 =	sld [smem:$0x3FB1]  }
0x2d: {  	s3 =	simm.s32 $0x108;
	s8 =	sld [smem:$0x3FB2]  }
0x2e: {  	s3 =	simm.s32 @!p0 $0x1082;
	s9 =	sld [smem:$0x3FB3]  }
0x2f: {  	lr =	sadd.s32 s0, s3;
	s0 =	sld [smem:$0x3FAA]  }
0x30: {  	s3 =	sld [smem:$0x3FAD]  }
0x31: {  	[smem:$0x3FB6] =	sst s10  }
0x32: {  	s10 =	sld [smem:$0x3FB4];
	_ =	sdelay $0x3  }
0x33: {  	p0 =	seq.s32 s10, $0x1;
	s10 =	sld [smem:$0x3FB6];
	_ =	sdelay $0x3  }
0x34: {  	[smem:$0x3FB6] =	sst s10  }
0x35: {  	s10 =	sld [smem:$0x3FB5];
	_ =	sdelay $0x3  }
0x36: {  	p1 =	seq.s32 s10, $0x1;
	s10 =	sld [smem:$0x3FB6];
	_ =	sdelay $0x3  }
0x37: {  	[smem:$0x3FB6] =	sst s10  }
0x38: {  	s10 =	sld [smem:$0x3FB7]  }
0x39: {  	_ = 	snop;
	(pc) =	sbr.ind lr, $3  }
0x3a: {  	_ = 	snop  }
0x3b: {  	_ = 	snop  }
0x3c: {  	p2 =	seq.s32 s10, $0x1;
	s10 =	sld [smem:$0x3FB6]  }
0x3d: {  	_ =	shalt  }
0x3e: {  	_ =	shalt  }
0x3f: {  	_ =	shalt  }
0x40: {  	_ =	shalt  }
0x41: {  	_ =	shalt  }
0x42: {  	_ =	shalt  }
0x43: {  	_ =	shalt  }
0x44: {  	_ =	shalt  }
0x45: {  	_ =	shalt  }
0x46: {  	_ =	shalt  }
0x47: {  	_ =	shalt  }
0x48: {  	_ =	shalt  }
0x49: {  	_ =	shalt  }
0x4a: {  	_ =	shalt  }
0x4b: {  	_ =	shalt  }
0x4c: {  	_ =	shalt  }
0x4d: {  	_ =	shalt  }
0x4e: {  	_ =	shalt  }
0x4f: {  	_ =	shalt  }
0x50: {  	_ =	shalt  }
0x51: {  	_ =	shalt  }
0x52: {  	_ =	shalt  }
0x53: {  	_ =	shalt  }
0x54: {  	_ =	shalt  }
0x55: {  	_ =	shalt  }
0x56: {  	_ =	shalt  }
0x57: {  	_ =	shalt  }
0x58: {  	_ =	shalt  }
0x59: {  	_ =	shalt  }
0x5a: {  	_ =	shalt  }
0x5b: {  	_ =	shalt  }
0x5c: {  	_ =	shalt  }
0x5d: {  	_ =	shalt  }
0x5e: {  	_ =	shalt  }
0x5f: {  	_ =	shalt  }
0x60: {  	_ =	shalt  }
0x61: {  	_ =	shalt  }
0x62: {  	_ =	shalt  }
0x63: {  	_ =	shalt  }
0x64: {  	_ =	shalt  }
0x65: {  	_ =	shalt  }
0x66: {  	_ =	shalt  }
0x67: {  	_ =	shalt  }
0x68: {  	_ =	shalt  }
0x69: {  	_ =	shalt  }
0x6a: {  	_ =	shalt  }
0x6b: {  	_ =	shalt  }
0x6c: {  	_ =	shalt  }
0x6d: {  	_ =	shalt  }
0x6e: {  	_ =	shalt  }
0x6f: {  	_ =	shalt  }
0x70: {  	_ =	shalt  }
0x71: {  	_ =	shalt  }
0x72: {  	_ =	shalt  }
0x73: {  	_ =	shalt  }
0x74: {  	_ =	shalt  }
0x75: {  	_ =	shalt  }
0x76: {  	_ =	shalt  }
0x77: {  	_ =	shalt  }
0x78: {  	_ =	shalt  }
0x79: {  	_ =	shalt  }
0x7a: {  	_ =	shalt  }
0x7b: {  	_ =	shalt  }
0x7c: {  	_ =	shalt  }
0x7d: {  	_ =	shalt  }
0x7e: {  	_ =	shalt  }
0x7f: {  	_ =	shalt  }
0x80: {  	_ =	shalt  }
0x81: {  	_ =	shalt  }
0x82: {  	_ =	shalt  }
0x83: {  	_ =	shalt  }
0x84: {  	_ =	shalt  }
0x85: {  	_ =	shalt  }
0x86: {  	_ =	shalt  }
0x87: {  	_ =	shalt  }
.Lfunc_end0:
.L_simem_size_0:
called_computation.1_lowered:
.L_overlay_start_0:
0x88: {  	s2 =	sld [smem:$0x3FD9]  }
0x89: {  	s3 =	sld [smem:$0x3FFE];
	_ =	sdelay $0x1  }
0x8a: {  	s1 =	srdreg.scid  }
0x8b: {  	s0 =	sand.u32 $0x1, s1  }
0x8c: {  	s17 =	sshll.u32 s0, $0xA;
	s2 =	sadd.s32 s3, s2  }
0x8d: {  	s2 =	sadd.s32 s2, s17  }
0x8e: {  	[smem:$0x3FC2] =	sst s2  }
0x8f: {  	_ = 	snop  }
0x90: {  	s2 =	sld [smem:$0x3FD0];
	(tm) =	ssettm $0x1  }
0x91: {  	s18 =	sld [smem:$0x3FFB];
	_ =	sdelay $0x3  }
0x92: {  	_ =	strace s18  }
0x93: {  	s3 =	sld [smem:$0x3FFC];
	_ =	sdelay $0x3  }
0x94: {  	_ =	strace s3  }
0x95: {  	s3 =	sld [smem:$0x3FFD];
	_ =	sdelay $0x3  }
0x96: {  	_ =	strace s3  }
0x97: {  	_ =	strace $0x8FFFFFFF  }
0x98: {  	s19 =	sld [smem:$0x3FDB];
	_ =	sdelay $0x1  }
0x99: {  	s4 =	simm.s32 $_scs_section_size  }
0x9a: {  	s5 =	simm.s32 $_size__tile_overlayer_lowered;
	s6 =	simm.s32 $_tile_overlayer_lowered  }
0x9b: {  	s22 =	simm.s32 $0x1BFF;
	s21 =	sshll.u32 s6, $0x1;
	s3 =	sadd.s32 s4, s19  }
0x9c: {  	s7 =	simm.s32 $0x0;
	s20 =	sshll.u32 s5, $0x1;
	s5 =	sadd.s32 s21, s3  }
0x9d: {  	[timem:s7], [sflag:s22] =	dma.local [hbm:s5], s20  }
0x9e: {  	_ =	swait.ge [sflag:s22], s20  }
0x9f: {  	s4 =	ssub.s32 $0x0, s20;
	[sflag:s22] =	ssyncset.done $0x0  }
0xa0: {  	[sflag:s22] =	ssyncadd.s32 s4;
	_ =	sdelay $0x1  }
0xa1: {  	s23 =	simm.s32 $0x1B8B  }
0xa2: {  	_ =	swait.ge [sflag:s23], $0x1  }
0xa3: {  	[sflag:s23] =	ssyncset.done $0x0  }
0xa4: {  	s25 =	simm.s32 $0x1B8E;
	s24 =	sld [smem:$0x3FFE];
	[sflag:s23] =	ssyncadd.s32 $0xFFFFFFFF  }
0xa5: {  	s26 =	simm.s32 $execute0_lowered;
	[smem:$0x3FD2] =	sst s25  }
0xa6: {  	s5 =	sshll.u32 s26, $0x1;
	_ =	strace $0x80000049;
	[dreg:$0x1] =	wrdreg $0xFFFFFFFF  }
0xa7: {  	s28 =	simm.s32 $_size_execute0_lowered;
	s3 =	sadd.s32 s3, s5;
	[dreg:$0x0] =	wrdreg $0x0  }
0xa8: {  	s5 =	sshll.u32 s28, $0x1;
	[dreg:$0x2] =	wrdreg s3  }
0xa9: {  	[dreg:$0x3] =	wrdreg s5  }
0xaa: {  	[dreg:$0x4] =	wrdreg $0xC0  }
0xab: {  	_ =	task [dreg:s7], $0x5FFFF  }
0xac: {  	[dreg:$0x1] =	wrdreg $0xFFFFFFFF  }
0xad: {  	[dreg:$0x0] =	wrdreg $0x60  }
0xae: {  	[dreg:$0x2] =	wrdreg s24  }
0xaf: {  	[dreg:$0x3] =	wrdreg s2  }
0xb0: {  	[dreg:$0x4] =	wrdreg $0xB8000  }
0xb1: {  	[dreg:$0x5] =	wrdreg $0x9  }
0xb2: {  	_ =	task.clear_ibuf [dreg:s7], $0x6FFFF;
	_ =	strace $0x90000049  }
0xb3: {  	s29 =	simm.s32 $0x9;
	_ =	strace $0x8000004B  }
0xb4: {  	_ =	swait.ge [sflag:s29], $0x1  }
0xb5: {  	[sflag:s29] =	ssyncadd.s32 $0xFFFFFFFF  }
0xb6: {  	_ =	strace $0x9000004B  }
0xb7: {  	_ =	sfence  }
0xb8: {  	s30 =	sld [smem:$0x0];
	_ =	sdelay $0x2  }
0xb9: {  	s31 =	sshll.u32 s1, $0xD;
	s1 =	sshrl.u32 s1, $0x2  }
0xba: {  	s3 =	sand.u32 $0x4000, s31;
	s1 =	sadd.s32 s1, s30  }
0xbb: {  	s0 =	sor.u32 s3, s0;
	s1 =	sshll.u32 s1, $0x11  }
0xbc: {  	s0 =	sor.u32 s1, s0  }
0xbd: {  	s0 =	sadd.s32 $0x8F2B, s0  }
0xbe: {  	[sflag:s0] =	ssyncadd.remote.s32 $0x1  }
0xbf: {  	_ =	sfence.sel $0xFFFF  }
0xc0: {  	[dreg:$0x0] =	wrdreg $0xFFFFFFFF;
	(pc) =	sbr.abs _section_cstart, $3  }
0xc1: {  	[dreg:$0x1] =	wrdreg $0xFFFFFFFF  }
0xc2: {  	_ =	task.clear_ibuf [dreg:s7], $0x2FFFF;
	_ =	strace $0x9FFFFFFF  }
0xc3: {  	(tm) =	ssettm $0x7FFFFFFF  }
tec
execute0_lowered:
.L_overlay_start_1:
0x0: {  	(tag) =	ssettag $0x1  }
0x1: {  	s0 =	rddreg [dreg:$0x0]  }
0x2: {  	s2 =	rddreg [dreg:$0x1]  }
0x3: {  	s3 =	rddreg [dreg:$0x2]  }
0x4: {  	s11 =	stileid.u32;
	s1 =	srdreg.scid  }
0x5: {  	s4 =	simm.s32 $0x0;
	s17 =	simm.s32 $0x5;
	s18 =	simm.s32 $0x1C00  }
0x6: {  	s19 =	simm.s32 $0x80;
	s20 =	simm.s32 $0x3800;
	s21 =	simm.s32 $0x7800  }
0x7: {  	s22 =	simm.s32 $0x1;
	s30 =	simm.s32 $0x1C00;
	s29 =	simm.s32 $0x1C80  }
0x8: {  	s31 =	simm.s32 $0x100;
	s5 =	smul.u32 $0x13C00, s11;
	s1 =	sand.u32 $0x1, s1  }
0x9: {  	[smem:$0x7FF] =	sst s4;
	s8 =	sadd.s32 $0xB400, s0;
	s7 =	smul.u32 $0x4F000, s11  }
0xa: {  	s13 =	sadd.s32 $0x1400, s0;
	s10 =	smul.u32 $0x30, s11;
	s24 =	sshll.u32 s11, $0x6  }
0xb: {  	s6 =	smul.u32 $0x13C000, s1;
	_ =	strace $0x8000004A;
	s23 =	ssub.s32 $0x2, s1  }
0xc: {  	p0 =	seq.s32 s1, $0x0;
	s9 =	sshrl.u32 s23, $0x1;
	s7 =	sshrl.u32 s7, $0x2  }
0xd: {  	s1 =	sadd.s32 $0x700, s10;
	s12 =	sadd.s32 $0x718, s10;
	s6 =	sadd.s32 s5, s6  }
0xe: {  	s5 =	sshrl.u32 s5, $0x3;
	s15 =	ssub.s32 s23, s9;
	s16 =	sadd.s32 s7, s3  }
0xf: {  	s9 =	smul.u32 $0x70, s11;
	s7 =	sor.u32 $0x1C05, s24;
	s23 =	simm.s32 $0x2  }
0x10: {  	s24 =	simm.s32 $0x3;
	s6 =	sshrl.u32 s6, $0x3;
	s5 =	sadd.s32 s5, s0  }
0x11: {  	s15 =	smax.u32 s15, $0x1;
	s16 =	sshrl.u32 s16, $0x3;
	s0 =	sadd.s32 s6, s0  }
0x12: {  	s5 =	sadd.s32 $0x15400, s5;
	s6 =	simm.s32 $0x1B;
	s1 =	smov.u32 @p0 s9  }
0x13: {  	[dreg:$0x4] =	wrdreg s5;
	s6 =	simm.s32 @!p0 $0xB;
	s1 =	sshll.u32 s1, $0x4  }
0x14: {  	s5 =	sadd.s32 $0x38, s9;
	s14 =	sadd.s32 $0x3CC00, s0;
	s25 =	sadd.s32 s8, s1  }
0x15: {  	s1 =	sadd.s32 s13, s1;
	s26 =	sshll.u32 s6, $0x8;
	[dreg:$0x5] =	wrdreg s25  }
0x16: {  	s12 =	smov.u32 @p0 s5;
	[dreg:$0x6] =	wrdreg s1;
	s10 =	sadd.s32 $0x1C00, s26  }
0x17: {  	s11 =	sadd.s32 $0x1C80, s26;
	s28 =	sshll.u32 s12, $0x4;
	s25 =	simm.s32 $0x4  }
0x18: {  	s26 =	simm.s32 $0x0;
	s12 =	sadd.s32 s8, s28;
	s13 =	sadd.s32 s13, s28  }
.LBB2_1:
0x19: {  	s0 =	rddreg [dreg:$0x4]  }
0x1a: {  	[spmem:s16], [sflag:s7] =	dma.local [hbm:s0], $0x2780  }
0x1b: {  	_ =	swait.ge [sflag:s17], $0x2780  }
0x1c: {  	[sflag:s17] =	ssyncset.done $0x0  }
0x1d: {  	s8 =	rddreg [dreg:$0x5];
	[sflag:s17] =	ssyncadd.s32 $0xFFFFD880  }
0x1e: {  	[tilespmem:s4], [sflag:$0x5] =	stream.linear.gather [hbm4b:s8+s4], $0x1C00, $0x38;
	[tilespmem:$0x1F400] =	vst v63  }
0x1f: {  	_ =	swait.ge [sflag:s17], $0x1C00  }
0x20: {  	[sflag:s17] =	ssyncset.done $0x0  }
0x21: {  	s9 =	rddreg [dreg:$0x6];
	[sflag:s17] =	ssyncadd.s32 $0xFFFFE400  }
0x22: {  	[tilespmem:s18], [sflag:$0x5] =	stream.linear.gather [hbm4b:s9+s4], $0x1C00, $0x38;
	[tilespmem:$0x1F400] =	vst v63  }
0x23: {  	_ =	swait.ge [sflag:s17], $0x1C00  }
0x24: {  	[sflag:s17] =	ssyncset.done $0x0  }
0x25: {  	[sflag:s17] =	ssyncadd.s32 $0xFFFFE400  }
0x26: {  	[bflag:$0x0] =	sbarrier.arrive $0xFFFF  }
0x27: {  	[tilespmem:s20], [sflag:$0x1] =	stream.indirect.gather [hbm4b:s2+s19], $0x80, s4, s19, $0xb8;
	[tilespmem:$0x1F400] =	vst v63  }
0x28: {  	_ = 	snop  }
0x29: {  	[tilespmem:s21], [sflag:$0x2] =	stream.indirect.gather [hbm4b:s2+s19], $0x80, s19, s19, $0xb8;
	[tilespmem:$0x1F400] =	vst v63  }
0x2a: {  	_ =	swait.ge [sflag:s22], $0x4000  }
0x2b: {  	[sflag:s22] =	ssyncset.done $0x0  }
0x2c: {  	[sflag:s22] =	ssyncadd.s32 $0xFFFFC000  }
0x2d: {  	[spmem:s3] =	stream.indirect.scatter.add.f32 [tilespmem:s20], [sflag:$0x3], $0x80, s30, s19, $0xb8;
	[tilespmem:$0x1F400] =	vst v63  }
0x2e: {  	_ =	swait.ge [sflag:s23], $0x4000  }
0x2f: {  	[sflag:s23] =	ssyncset.done $0x0  }
0x30: {  	[sflag:s23] =	ssyncadd.s32 $0xFFFFC000  }
0x31: {  	[spmem:s3] =	stream.indirect.scatter.add.f32 [tilespmem:s21], [sflag:$0x4], $0x80, s29, s19, $0xb8;
	[tilespmem:$0x1F400] =	vst v63  }
0x32: {  	_ =	swait.ge [sflag:s24], $0x4000  }
0x33: {  	p0 =	sne.s32 s6, $0x1;
	[sflag:s24] =	ssyncset.done $0x0  }
.Ltmp0:
0x34: {  	[sflag:s24] =	ssyncadd.s32 $0xFFFFC000;
	(pc) =	sbr.rel @!p0 .LBB2_3-.Ltmp0, $4  }
0x35: {  	[tilespmem:s20], [sflag:$0x1] =	stream.indirect.gather [hbm4b:s2+s19], $0x80, s31, s19, $0xb8;
	[tilespmem:$0x1F400] =	vst v63  }
0x36: {  	s28 =	simm.s32 $0x180;
	_ =	swait.ge [sflag:s25], $0x4000  }
0x37: {  	s1 =	simm.s32 $0x280;
	s5 =	simm.s32 $0x1D80;
	[sflag:s25] =	ssyncset.done $0x0  }
0x38: {  	s0 =	sadd.s32 $0xFFFFFFFF, s6;
	s8 =	simm.s32 $0x180;
	[sflag:s25] =	ssyncadd.s32 $0xFFFFC000  }
.LBB2_2:
0x39: {  	[tilespmem:s21], [sflag:$0x2] =	stream.indirect.gather [hbm4b:s2+s19], $0x80, s8, s19, $0xb8;
	[tilespmem:$0x1F400] =	vst v63  }
0x3a: {  	p1 =	sne.s32 s0, $0x1;
	s0 =	sadd.s32 $0xFFFFFFFF, s0;
	_ =	swait.ge [sflag:s22], $0x4000  }
0x3b: {  	s8 =	smov.u32 s1;
	[sflag:s22] =	ssyncset.done $0x0  }
0x3c: {  	s9 =	sadd.s32 $0xFFFFFF80, s5;
	[sflag:s22] =	ssyncadd.s32 $0xFFFFC000  }
0x3d: {  	[spmem:s3] =	stream.indirect.scatter.add.f32 [tilespmem:s20], [sflag:$0x3], $0x80, s9, s19, $0xb8;
	[tilespmem:$0x1F400] =	vst v63  }
0x3e: {  	_ =	swait.ge [sflag:s23], $0x4000  }
0x3f: {  	[sflag:s23] =	ssyncset.done $0x0  }
0x40: {  	[sflag:s23] =	ssyncadd.s32 $0xFFFFC000  }
0x41: {  	[spmem:s3] =	stream.indirect.scatter.add.f32 [tilespmem:s21], [sflag:$0x4], $0x80, s5, s19, $0xb8;
	[tilespmem:$0x1F400] =	vst v63  }
0x42: {  	_ =	swait.ge [sflag:s24], $0x4000  }
0x43: {  	[sflag:s24] =	ssyncset.done $0x0  }
.Ltmp1:
0x44: {  	s9 =	sadd.s32 $0xFFFFFF80, s1;
	[sflag:s24] =	ssyncadd.s32 $0xFFFFC000;
	(pc) =	sbr.rel @p1 .LBB2_2-.Ltmp1, $4  }
0x45: {  	[tilespmem:s20], [sflag:$0x1] =	stream.indirect.gather [hbm4b:s2+s19], $0x80, s9, s19, $0xb8;
	[tilespmem:$0x1F400] =	vst v63  }
0x46: {  	_ =	swait.ge [sflag:s25], $0x4000  }
0x47: {  	[sflag:s25] =	ssyncset.done $0x0  }
0x48: {  	s1 =	sadd.s32 $0x100, s1;
	s5 =	sadd.s32 $0x100, s5;
	[sflag:s25] =	ssyncadd.s32 $0xFFFFC000  }
.LBB2_3:
0x49: {  	[tilespmem:s21], [sflag:$0x2] =	stream.indirect.gather [hbm4b:s2+s19], $0x80, s8, s19, $0xb8;
	[tilespmem:$0x1F400] =	vst v63  }
0x4a: {  	_ =	swait.ge [sflag:s22], $0x4000  }
0x4b: {  	[sflag:s22] =	ssyncset.done $0x0  }
0x4c: {  	[sflag:s22] =	ssyncadd.s32 $0xFFFFC000  }
0x4d: {  	[spmem:s3] =	stream.indirect.scatter.add.f32 [tilespmem:s20], [sflag:$0x3], $0x80, s10, s19, $0xb8;
	[tilespmem:$0x1F400] =	vst v63  }
0x4e: {  	_ =	swait.ge [sflag:s23], $0x4000  }
0x4f: {  	[sflag:s23] =	ssyncset.done $0x0  }
0x50: {  	[sflag:s23] =	ssyncadd.s32 $0xFFFFC000  }
0x51: {  	[spmem:s3] =	stream.indirect.scatter.add.f32 [tilespmem:s21], [sflag:$0x4], $0x80, s11, s19, $0xb8;
	[tilespmem:$0x1F400] =	vst v63  }
0x52: {  	_ =	swait.ge [sflag:s24], $0x4000  }
0x53: {  	[sflag:s24] =	ssyncset.done $0x0  }
0x54: {  	[sflag:s24] =	ssyncadd.s32 $0xFFFFC000  }
0x55: {  	_ =	swait.ge [sflag:s25], $0x4000  }
0x56: {  	[sflag:s25] =	ssyncset.done $0x0  }
0x57: {  	[sflag:s25] =	ssyncadd.s32 $0xFFFFC000  }
0x58: {  	[tilespmem:s4], [sflag:$0x5] =	stream.linear.gather [hbm4b:s12+s4], $0x1C00, $0x38;
	[tilespmem:$0x1F400] =	vst v63  }
0x59: {  	_ =	swait.ge [sflag:s17], $0x1C00  }
0x5a: {  	[sflag:s17] =	ssyncset.done $0x0  }
0x5b: {  	[sflag:s17] =	ssyncadd.s32 $0xFFFFE400  }
0x5c: {  	[tilespmem:s18], [sflag:$0x5] =	stream.linear.gather [hbm4b:s13+s4], $0x1C00, $0x38;
	[tilespmem:$0x1F400] =	vst v63  }
0x5d: {  	_ =	swait.ge [sflag:s17], $0x1C00  }
0x5e: {  	[sflag:s17] =	ssyncset.done $0x0  }
0x5f: {  	[sflag:s17] =	ssyncadd.s32 $0xFFFFE400  }
0x60: {  	[tilespmem:s20], [sflag:$0x1] =	stream.indirect.gather [hbm4b:s2+s19], $0x80, s4, s19, $0xb8;
	[tilespmem:$0x1F400] =	vst v63  }
0x61: {  	_ = 	snop  }
0x62: {  	[tilespmem:s21], [sflag:$0x2] =	stream.indirect.gather [hbm4b:s2+s19], $0x80, s19, s19, $0xb8;
	[tilespmem:$0x1F400] =	vst v63  }
0x63: {  	_ =	swait.ge [sflag:s22], $0x4000  }
0x64: {  	[sflag:s22] =	ssyncset.done $0x0  }
0x65: {  	[sflag:s22] =	ssyncadd.s32 $0xFFFFC000  }
0x66: {  	[spmem:s3] =	stream.indirect.scatter.add.f32 [tilespmem:s20], [sflag:$0x3], $0x80, s30, s19, $0xb8;
	[tilespmem:$0x1F400] =	vst v63  }
0x67: {  	_ =	swait.ge [sflag:s23], $0x4000  }
0x68: {  	[sflag:s23] =	ssyncset.done $0x0  }
0x69: {  	[sflag:s23] =	ssyncadd.s32 $0xFFFFC000  }
0x6a: {  	[spmem:s3] =	stream.indirect.scatter.add.f32 [tilespmem:s21], [sflag:$0x4], $0x80, s29, s19, $0xb8;
	[tilespmem:$0x1F400] =	vst v63  }
0x6b: {  	_ =	swait.ge [sflag:s24], $0x4000  }
0x6c: {  	[sflag:s24] =	ssyncset.done $0x0  }
.Ltmp2:
0x6d: {  	[sflag:s24] =	ssyncadd.s32 $0xFFFFC000;
	(pc) =	sbr.rel @!p0 .LBB2_5-.Ltmp2, $4  }
0x6e: {  	[tilespmem:s20], [sflag:$0x1] =	stream.indirect.gather [hbm4b:s2+s19], $0x80, s31, s19, $0xb8;
	[tilespmem:$0x1F400] =	vst v63  }
0x6f: {  	_ =	swait.ge [sflag:s25], $0x4000  }
0x70: {  	s0 =	sadd.s32 $0xFFFFFFFF, s6;
	[sflag:s25] =	ssyncset.done $0x0  }
0x71: {  	s1 =	simm.s32 $0x280;
	s5 =	simm.s32 $0x1D80;
	[sflag:s25] =	ssyncadd.s32 $0xFFFFC000  }
.LBB2_4:
0x72: {  	[tilespmem:s21], [sflag:$0x2] =	stream.indirect.gather [hbm4b:s2+s19], $0x80, s28, s19, $0xb8;
	[tilespmem:$0x1F400] =	vst v63  }
0x73: {  	p0 =	sne.s32 s0, $0x1;
	s0 =	sadd.s32 $0xFFFFFFFF, s0;
	_ =	swait.ge [sflag:s22], $0x4000  }
0x74: {  	s28 =	smov.u32 s1;
	[sflag:s22] =	ssyncset.done $0x0  }
0x75: {  	s8 =	sadd.s32 $0xFFFFFF80, s5;
	[sflag:s22] =	ssyncadd.s32 $0xFFFFC000  }
0x76: {  	[spmem:s3] =	stream.indirect.scatter.add.f32 [tilespmem:s20], [sflag:$0x3], $0x80, s8, s19, $0xb8;
	[tilespmem:$0x1F400] =	vst v63  }
0x77: {  	_ =	swait.ge [sflag:s23], $0x4000  }
0x78: {  	[sflag:s23] =	ssyncset.done $0x0  }
0x79: {  	[sflag:s23] =	ssyncadd.s32 $0xFFFFC000  }
0x7a: {  	[spmem:s3] =	stream.indirect.scatter.add.f32 [tilespmem:s21], [sflag:$0x4], $0x80, s5, s19, $0xb8;
	[tilespmem:$0x1F400] =	vst v63  }
0x7b: {  	_ =	swait.ge [sflag:s24], $0x4000  }
0x7c: {  	[sflag:s24] =	ssyncset.done $0x0  }
.Ltmp3:
0x7d: {  	s8 =	sadd.s32 $0xFFFFFF80, s1;
	[sflag:s24] =	ssyncadd.s32 $0xFFFFC000;
	(pc) =	sbr.rel @p0 .LBB2_4-.Ltmp3, $4  }
0x7e: {  	[tilespmem:s20], [sflag:$0x1] =	stream.indirect.gather [hbm4b:s2+s19], $0x80, s8, s19, $0xb8;
	[tilespmem:$0x1F400] =	vst v63  }
0x7f: {  	_ =	swait.ge [sflag:s25], $0x4000  }
0x80: {  	[sflag:s25] =	ssyncset.done $0x0  }
0x81: {  	s1 =	sadd.s32 $0x100, s1;
	s5 =	sadd.s32 $0x100, s5;
	[sflag:s25] =	ssyncadd.s32 $0xFFFFC000  }
.LBB2_5:
0x82: {  	[tilespmem:s21], [sflag:$0x2] =	stream.indirect.gather [hbm4b:s2+s19], $0x80, s28, s19, $0xb8;
	[tilespmem:$0x1F400] =	vst v63  }
0x83: {  	_ =	swait.ge [sflag:s22], $0x4000  }
0x84: {  	[sflag:s22] =	ssyncset.done $0x0  }
0x85: {  	[sflag:s22] =	ssyncadd.s32 $0xFFFFC000  }
0x86: {  	[spmem:s3] =	stream.indirect.scatter.add.f32 [tilespmem:s20], [sflag:$0x3], $0x80, s10, s19, $0xb8;
	[tilespmem:$0x1F400] =	vst v63  }
0x87: {  	_ =	swait.ge [sflag:s23], $0x4000  }
0x88: {  	[sflag:s23] =	ssyncset.done $0x0  }
0x89: {  	[sflag:s23] =	ssyncadd.s32 $0xFFFFC000  }
0x8a: {  	[spmem:s3] =	stream.indirect.scatter.add.f32 [tilespmem:s21], [sflag:$0x4], $0x80, s11, s19, $0xb8;
	[tilespmem:$0x1F400] =	vst v63  }
0x8b: {  	_ =	swait.ge [sflag:s24], $0x4000  }
0x8c: {  	[sflag:s24] =	ssyncset.done $0x0  }
0x8d: {  	[sflag:s24] =	ssyncadd.s32 $0xFFFFC000  }
0x8e: {  	_ =	swait.ge [sflag:s25], $0x4000  }
0x8f: {  	s26 =	sadd.s32 $0x1, s26;
	[sflag:s25] =	ssyncset.done $0x0  }
0x90: {  	p0 =	sne.s32 s26, s15;
	[sflag:s25] =	ssyncadd.s32 $0xFFFFC000  }
.Ltmp4:
0x91: {  	[bflag:$0x0] =	sbarrier.arrive $0xFFFF;
	(pc) =	sbr.rel @p0 .LBB2_1-.Ltmp4, $4  }
0x92: {  	[hbm:s14], [sflag:s7] =	dma.local [spmem:s16], $0x2780  }
0x93: {  	_ =	swait.ge [sflag:s17], $0x2780  }
0x94: {  	[sflag:s17] =	ssyncset.done $0x0  }
0x95: {  	[sflag:s17] =	ssyncadd.s32 $0xFFFFD880  }
0x96: {  	_ =	sfence.sel $0x180000  }
0x97: {  	[bflag:$0x0] =	sbarrier.arrive $0xFFFF  }
0x98: {  	_ =	strace $0x9000004A  }
0x99: {  	s0 =	stileid.u32;
	[bflag:$0x2] =	sbarrier.arrive $0xFFFF  }
0x9a: {  	p0 =	sne.s32 s0, $0x0;
	s0 =	rddreg [dreg:$0x3]  }
0x9b: {  	s0 =	sadd.s32 @!p0 $0x100000, s0  }
0x9c: {  	[sflag:s0] =	ssyncadd.tile.s32 @!p0 $0x1;
	_ =	shalt  }
.Lfunc_end2:
_tile_overlayer_lowered:
.L_overlay_start_2:
0x9d: {  	(tag) =	ssettag $0x2  }
0x9e: {  	s0 =	rddreg [dreg:$0x0];
	s2 =	stileid.u32  }
0x9f: {  	s1 =	rddreg [dreg:$0x1];
	p0 =	sne.s32 s2, $0x0  }
0xa0: {  	s3 =	rddreg [dreg:$0x2];
	[bflag:$0x3] =	sbarrier.arrive $0xFFFF;
	s2 =	simm.s32 @!p0 $0x1C05  }
0xa1: {  	[timem:s3], [sflag:s2] =	dma.local @!p0 [hbm:s0], s1  }
0xa2: {  	s0 =	simm.s32 @!p0 $0x5  }
0xa3: {  	_ =	swait.ge @!p0 [sflag:s0], s1  }
0xa4: {  	s1 =	ssub.s32 @!p0 $0x0, s1;
	[sflag:s0] =	ssyncset.done @!p0 $0x0  }
0xa5: {  	[sflag:s0] =	ssyncadd.s32 @!p0 s1  }
0xa6: {  	[bflag:$0x3] =	sbarrier.arrive $0xFFFF  }
0xa7: {  	_ =	shalt  }

// kernel: kernel.7.cloned.1.call-start
scs
__scs_entry_jumppad:
0x0: {  	(pc) =	sbr.rel $0x88, $3  }
0x1: {  	(tag) =	ssettag $0x0;
	lr =	simm.s32 $0x1  }
0x2: {  	[smem:$0x3F9B] =	sst lr;
	_ =	strace $0xD0000000  }
0x3: {  	_ = 	snop  }
0x4: {  	_ = 	snop  }
0x5: {  	_ = 	snop  }
0x6: {  	_ = 	snop  }
0x7: {  	_ = 	snop  }
__scs_overlays_trampoline_lowered:
0x8: {  	[smem:$0x3FAA] =	sst s0  }
0x9: {  	[smem:$0x3FAB] =	sst s1  }
0xa: {  	[smem:$0x3FAC] =	sst s2  }
0xb: {  	[smem:$0x3FAD] =	sst s3  }
0xc: {  	[smem:$0x3FAE] =	sst s4  }
0xd: {  	[smem:$0x3FAF] =	sst s5  }
0xe: {  	[smem:$0x3FB0] =	sst s6  }
0xf: {  	[smem:$0x3FB1] =	sst s7  }
0x10: {  	[smem:$0x3FB2] =	sst s8  }
0x11: {  	[smem:$0x3FB3] =	sst s9;
	s0 =	simm.s32 @!p0 $0x0  }
0x12: {  	s1 =	sld [smem:$0x3F99];
	s0 =	simm.s32 @p0 $0x1  }
0x13: {  	[smem:$0x3FB4] =	sst s0;
	s0 =	simm.s32 @!p1 $0x0  }
0x14: {  	s2 =	sld [smem:$0x3F98];
	s0 =	simm.s32 @p1 $0x1  }
0x15: {  	[smem:$0x3FB5] =	sst s0;
	s0 =	simm.s32 @!p2 $0x0  }
0x16: {  	s3 =	sld [smem:$0x3FDB];
	s0 =	simm.s32 @p2 $0x1  }
0x17: {  	s4 =	simm.s32 $0x1BF5;
	[smem:$0x3FB7] =	sst s0  }
0x18: {  	s0 =	sld [smem:$0x3F9A];
	_ =	swait.ge [sflag:s4], $0x0  }
0x19: {  	s7 =	sld [smem:$0x3F9B]  }
0x1a: {  	s8 =	sadd.s32 $0xFFFFE003, lr  }
0x1b: {  	s9 =	sadd.s32 $0xFFFFFEF7, lr;
	s5 =	simm.s32 $0xFFFFFFFF;
	p2 =	slt.u32 s8, $0xFFFFF086  }
0x1c: {  	p1 =	slt.u32 s9, $0xF7A;
	s5 =	simm.s32 @!p2 $0x0  }
0x1d: {  	s5 =	simm.s32 @p1 $0x1;
	p0 =	seq.s32 s7, s2  }
0x1e: {  	s7 =	smul.u32 @!p0 $0xF7A, s2;
	p2 =	seq.s32 @!p0 s5, $0x0  }
0x1f: {  	s9 =	smul.u32 $0xF7A, s1;
	s8 =	simm.s32 @!p0 $0x1BF5;
	p2 =	por !p2, p0  }
0x20: {  	[sflag:s8] =	ssyncset.s32 @!p0 $0xFFFFF086;
	s6 =	sadd.s32 @!p0 s3, s7;
	s7 =	simm.s32 @!p0 $0x108  }
0x21: {  	s3 =	sadd.s32 s3, s9;
	s6 =	sadd.s32 @!p0 $0x88, s6;
	s7 =	simm.s32 @p2 $0x1082  }
0x22: {  	[simem:s7], [sflag:s8] =	dma.local @!p0 [hbm:s6], $0xF7A  }
0x23: {  	s9 =	sor.u32 $0xD0000000, s2;
	s6 =	simm.s32 $0x108;
	_ =	swait.ge @!p0 [sflag:s8], $0x0  }
0x24: {  	s3 =	sadd.s32 $0x88, s3;
	s6 =	simm.s32 @!p1 $0x1082;
	[sflag:s4] =	ssyncset.s32 $0xFFFFF086  }
0x25: {  	[simem:s6], [sflag:s4] =	dma.local [hbm:s3], $0xF7A  }
0x26: {  	[smem:$0x3F9B] =	sst s1;
	(tag) =	ssettag s2;
	_ =	strace s9  }
0x27: {  	s1 =	sld [smem:$0x3FAB]  }
0x28: {  	s2 =	sld [smem:$0x3FAC]  }
0x29: {  	s4 =	sld [smem:$0x3FAE]  }
0x2a: {  	p0 =	seq.s32 s5, $0x0;
	s5 =	sld [smem:$0x3FAF]  }
0x2b: {  	s6 =	sld [smem:$0x3FB0]  }
0x2c: {  	s7 =	sld [smem:$0x3FB1]  }
0x2d: {  	s3 =	simm.s32 $0x108;
	s8 =	sld [smem:$0x3FB2]  }
0x2e: {  	s3 =	simm.s32 @!p0 $0x1082;
	s9 =	sld [smem:$0x3FB3]  }
0x2f: {  	lr =	sadd.s32 s0, s3;
	s0 =	sld [smem:$0x3FAA]  }
0x30: {  	s3 =	sld [smem:$0x3FAD]  }
0x31: {  	[smem:$0x3FB6] =	sst s10  }
0x32: {  	s10 =	sld [smem:$0x3FB4];
	_ =	sdelay $0x3  }
0x33: {  	p0 =	seq.s32 s10, $0x1;
	s10 =	sld [smem:$0x3FB6];
	_ =	sdelay $0x3  }
0x34: {  	[smem:$0x3FB6] =	sst s10  }
0x35: {  	s10 =	sld [smem:$0x3FB5];
	_ =	sdelay $0x3  }
0x36: {  	p1 =	seq.s32 s10, $0x1;
	s10 =	sld [smem:$0x3FB6];
	_ =	sdelay $0x3  }
0x37: {  	[smem:$0x3FB6] =	sst s10  }
0x38: {  	s10 =	sld [smem:$0x3FB7]  }
0x39: {  	_ = 	snop;
	(pc) =	sbr.ind lr, $3  }
0x3a: {  	_ = 	snop  }
0x3b: {  	_ = 	snop  }
0x3c: {  	p2 =	seq.s32 s10, $0x1;
	s10 =	sld [smem:$0x3FB6]  }
0x3d: {  	_ =	shalt  }
0x3e: {  	_ =	shalt  }
0x3f: {  	_ =	shalt  }
0x40: {  	_ =	shalt  }
0x41: {  	_ =	shalt  }
0x42: {  	_ =	shalt  }
0x43: {  	_ =	shalt  }
0x44: {  	_ =	shalt  }
0x45: {  	_ =	shalt  }
0x46: {  	_ =	shalt  }
0x47: {  	_ =	shalt  }
0x48: {  	_ =	shalt  }
0x49: {  	_ =	shalt  }
0x4a: {  	_ =	shalt  }
0x4b: {  	_ =	shalt  }
0x4c: {  	_ =	shalt  }
0x4d: {  	_ =	shalt  }
0x4e: {  	_ =	shalt  }
0x4f: {  	_ =	shalt  }
0x50: {  	_ =	shalt  }
0x51: {  	_ =	shalt  }
0x52: {  	_ =	shalt  }
0x53: {  	_ =	shalt  }
0x54: {  	_ =	shalt  }
0x55: {  	_ =	shalt  }
0x56: {  	_ =	shalt  }
0x57: {  	_ =	shalt  }
0x58: {  	_ =	shalt  }
0x59: {  	_ =	shalt  }
0x5a: {  	_ =	shalt  }
0x5b: {  	_ =	shalt  }
0x5c: {  	_ =	shalt  }
0x5d: {  	_ =	shalt  }
0x5e: {  	_ =	shalt  }
0x5f: {  	_ =	shalt  }
0x60: {  	_ =	shalt  }
0x61: {  	_ =	shalt  }
0x62: {  	_ =	shalt  }
0x63: {  	_ =	shalt  }
0x64: {  	_ =	shalt  }
0x65: {  	_ =	shalt  }
0x66: {  	_ =	shalt  }
0x67: {  	_ =	shalt  }
0x68: {  	_ =	shalt  }
0x69: {  	_ =	shalt  }
0x6a: {  	_ =	shalt  }
0x6b: {  	_ =	shalt  }
0x6c: {  	_ =	shalt  }
0x6d: {  	_ =	shalt  }
0x6e: {  	_ =	shalt  }
0x6f: {  	_ =	shalt  }
0x70: {  	_ =	shalt  }
0x71: {  	_ =	shalt  }
0x72: {  	_ =	shalt  }
0x73: {  	_ =	shalt  }
0x74: {  	_ =	shalt  }
0x75: {  	_ =	shalt  }
0x76: {  	_ =	shalt  }
0x77: {  	_ =	shalt  }
0x78: {  	_ =	shalt  }
0x79: {  	_ =	shalt  }
0x7a: {  	_ =	shalt  }
0x7b: {  	_ =	shalt  }
0x7c: {  	_ =	shalt  }
0x7d: {  	_ =	shalt  }
0x7e: {  	_ =	shalt  }
0x7f: {  	_ =	shalt  }
0x80: {  	_ =	shalt  }
0x81: {  	_ =	shalt  }
0x82: {  	_ =	shalt  }
0x83: {  	_ =	shalt  }
0x84: {  	_ =	shalt  }
0x85: {  	_ =	shalt  }
0x86: {  	_ =	shalt  }
0x87: {  	_ =	shalt  }
.Lfunc_end0:
.L_simem_size_0:
called_computation_lowered:
.L_overlay_start_0:
0x88: {  	s2 =	sld [smem:$0x3FD9]  }
0x89: {  	s3 =	sld [smem:$0x3FFE];
	_ =	sdelay $0x1  }
0x8a: {  	s1 =	srdreg.scid  }
0x8b: {  	s0 =	sand.u32 $0x1, s1  }
0x8c: {  	s17 =	sshll.u32 s0, $0xA;
	s2 =	sadd.s32 s3, s2  }
0x8d: {  	s2 =	sadd.s32 s2, s17  }
0x8e: {  	[smem:$0x3FC2] =	sst s2  }
0x8f: {  	_ = 	snop  }
0x90: {  	s2 =	sld [smem:$0x3FD0];
	(tm) =	ssettm $0x1  }
0x91: {  	s18 =	sld [smem:$0x3FFB];
	_ =	sdelay $0x3  }
0x92: {  	_ =	strace s18  }
0x93: {  	s3 =	sld [smem:$0x3FFC];
	_ =	sdelay $0x3  }
0x94: {  	_ =	strace s3  }
0x95: {  	s3 =	sld [smem:$0x3FFD];
	_ =	sdelay $0x3  }
0x96: {  	_ =	strace s3  }
0x97: {  	_ =	strace $0x8FFFFFFF  }
0x98: {  	s19 =	sld [smem:$0x3FDB];
	_ =	sdelay $0x1  }
0x99: {  	s4 =	simm.s32 $_scs_section_size  }
0x9a: {  	s5 =	simm.s32 $_size__tile_overlayer_lowered;
	s6 =	simm.s32 $_tile_overlayer_lowered  }
0x9b: {  	s22 =	simm.s32 $0x1BFF;
	s21 =	sshll.u32 s6, $0x1;
	s3 =	sadd.s32 s4, s19  }
0x9c: {  	s7 =	simm.s32 $0x0;
	s20 =	sshll.u32 s5, $0x1;
	s5 =	sadd.s32 s21, s3  }
0x9d: {  	[timem:s7], [sflag:s22] =	dma.local [hbm:s5], s20  }
0x9e: {  	_ =	swait.ge [sflag:s22], s20  }
0x9f: {  	s4 =	ssub.s32 $0x0, s20;
	[sflag:s22] =	ssyncset.done $0x0  }
0xa0: {  	[sflag:s22] =	ssyncadd.s32 s4;
	_ =	sdelay $0x1  }
0xa1: {  	s23 =	simm.s32 $0x1B8B  }
0xa2: {  	_ =	swait.ge [sflag:s23], $0x1  }
0xa3: {  	[sflag:s23] =	ssyncset.done $0x0  }
0xa4: {  	s25 =	simm.s32 $0x1B8E;
	s24 =	sld [smem:$0x3FFE];
	[sflag:s23] =	ssyncadd.s32 $0xFFFFFFFF  }
0xa5: {  	s26 =	simm.s32 $execute0_lowered;
	[smem:$0x3FD2] =	sst s25  }
0xa6: {  	s5 =	sshll.u32 s26, $0x1;
	_ =	strace $0x80000046;
	[dreg:$0x1] =	wrdreg $0xFFFFFFFF  }
0xa7: {  	s28 =	simm.s32 $_size_execute0_lowered;
	s3 =	sadd.s32 s3, s5;
	[dreg:$0x0] =	wrdreg $0x0  }
0xa8: {  	s5 =	sshll.u32 s28, $0x1;
	[dreg:$0x2] =	wrdreg s3  }
0xa9: {  	[dreg:$0x3] =	wrdreg s5  }
0xaa: {  	[dreg:$0x4] =	wrdreg $0xC0  }
0xab: {  	_ =	task [dreg:s7], $0x5FFFF  }
0xac: {  	[dreg:$0x1] =	wrdreg $0xFFFFFFFF  }
0xad: {  	[dreg:$0x0] =	wrdreg $0x60  }
0xae: {  	[dreg:$0x2] =	wrdreg s24  }
0xaf: {  	[dreg:$0x3] =	wrdreg s2  }
0xb0: {  	[dreg:$0x4] =	wrdreg $0xB8000  }
0xb1: {  	[dreg:$0x5] =	wrdreg $0x9  }
0xb2: {  	_ =	task.clear_ibuf [dreg:s7], $0x6FFFF;
	_ =	strace $0x90000046  }
0xb3: {  	s29 =	simm.s32 $0x9;
	_ =	strace $0x80000048  }
0xb4: {  	_ =	swait.ge [sflag:s29], $0x1  }
0xb5: {  	[sflag:s29] =	ssyncadd.s32 $0xFFFFFFFF  }
0xb6: {  	_ =	strace $0x90000048  }
0xb7: {  	_ =	sfence  }
0xb8: {  	s30 =	sld [smem:$0x0];
	_ =	sdelay $0x2  }
0xb9: {  	s31 =	sshll.u32 s1, $0xD;
	s1 =	sshrl.u32 s1, $0x2  }
0xba: {  	s3 =	sand.u32 $0x4000, s31;
	s1 =	sadd.s32 s1, s30  }
0xbb: {  	s0 =	sor.u32 s3, s0;
	s1 =	sshll.u32 s1, $0x11  }
0xbc: {  	s0 =	sor.u32 s1, s0  }
0xbd: {  	s0 =	sadd.s32 $0x8F2B, s0  }
0xbe: {  	[sflag:s0] =	ssyncadd.remote.s32 $0x1  }
0xbf: {  	_ =	sfence.sel $0xFFFF  }
0xc0: {  	[dreg:$0x0] =	wrdreg $0xFFFFFFFF;
	(pc) =	sbr.abs _section_cstart, $3  }
0xc1: {  	[dreg:$0x1] =	wrdreg $0xFFFFFFFF  }
0xc2: {  	_ =	task.clear_ibuf [dreg:s7], $0x2FFFF;
	_ =	strace $0x9FFFFFFF  }
0xc3: {  	(tm) =	ssettm $0x7FFFFFFF  }
tec
execute0_lowered:
.L_overlay_start_1:
0x0: {  	(tag) =	ssettag $0x1  }
0x1: {  	s0 =	rddreg [dreg:$0x0]  }
0x2: {  	s2 =	rddreg [dreg:$0x1]  }
0x3: {  	s3 =	rddreg [dreg:$0x2]  }
0x4: {  	s11 =	stileid.u32;
	s1 =	srdreg.scid  }
0x5: {  	s4 =	simm.s32 $0x0;
	s17 =	simm.s32 $0x5;
	s18 =	simm.s32 $0x1C00  }
0x6: {  	s19 =	simm.s32 $0x80;
	s20 =	simm.s32 $0x3800;
	s21 =	simm.s32 $0x7800  }
0x7: {  	s22 =	simm.s32 $0x1;
	s30 =	simm.s32 $0x1C00;
	s29 =	simm.s32 $0x1C80  }
0x8: {  	s31 =	simm.s32 $0x100;
	s5 =	smul.u32 $0x13C00, s11;
	s1 =	sand.u32 $0x1, s1  }
0x9: {  	[smem:$0x7FF] =	sst s4;
	s8 =	sadd.s32 $0xB400, s0;
	s7 =	smul.u32 $0x4F000, s11  }
0xa: {  	s13 =	sadd.s32 $0x1400, s0;
	s10 =	smul.u32 $0x30, s11;
	s24 =	sshll.u32 s11, $0x6  }
0xb: {  	s6 =	smul.u32 $0x13C000, s1;
	_ =	strace $0x80000047;
	s23 =	ssub.s32 $0x2, s1  }
0xc: {  	p0 =	seq.s32 s1, $0x0;
	s9 =	sshrl.u32 s23, $0x1;
	s7 =	sshrl.u32 s7, $0x2  }
0xd: {  	s1 =	sadd.s32 $0x700, s10;
	s12 =	sadd.s32 $0x718, s10;
	s6 =	sadd.s32 s5, s6  }
0xe: {  	s5 =	sshrl.u32 s5, $0x3;
	s15 =	ssub.s32 s23, s9;
	s16 =	sadd.s32 s7, s3  }
0xf: {  	s9 =	smul.u32 $0x70, s11;
	s7 =	sor.u32 $0x1C05, s24;
	s23 =	simm.s32 $0x2  }
0x10: {  	s24 =	simm.s32 $0x3;
	s6 =	sshrl.u32 s6, $0x3;
	s5 =	sadd.s32 s5, s0  }
0x11: {  	s15 =	smax.u32 s15, $0x1;
	s16 =	sshrl.u32 s16, $0x3;
	s0 =	sadd.s32 s6, s0  }
0x12: {  	s5 =	sadd.s32 $0x15400, s5;
	s6 =	simm.s32 $0x1B;
	s1 =	smov.u32 @p0 s9  }
0x13: {  	[dreg:$0x4] =	wrdreg s5;
	s6 =	simm.s32 @!p0 $0xB;
	s1 =	sshll.u32 s1, $0x4  }
0x14: {  	s5 =	sadd.s32 $0x38, s9;
	s14 =	sadd.s32 $0x3CC00, s0;
	s25 =	sadd.s32 s8, s1  }
0x15: {  	s1 =	sadd.s32 s13, s1;
	s26 =	sshll.u32 s6, $0x8;
	[dreg:$0x5] =	wrdreg s25  }
0x16: {  	s12 =	smov.u32 @p0 s5;
	[dreg:$0x6] =	wrdreg s1;
	s10 =	sadd.s32 $0x1C00, s26  }
0x17: {  	s11 =	sadd.s32 $0x1C80, s26;
	s28 =	sshll.u32 s12, $0x4;
	s25 =	simm.s32 $0x4  }
0x18: {  	s26 =	simm.s32 $0x0;
	s12 =	sadd.s32 s8, s28;
	s13 =	sadd.s32 s13, s28  }
.LBB2_1:
0x19: {  	s0 =	rddreg [dreg:$0x4]  }
0x1a: {  	[spmem:s16], [sflag:s7] =	dma.local [hbm:s0], $0x2780  }
0x1b: {  	_ =	swait.ge [sflag:s17], $0x2780  }
0x1c: {  	[sflag:s17] =	ssyncset.done $0x0  }
0x1d: {  	s8 =	rddreg [dreg:$0x5];
	[sflag:s17] =	ssyncadd.s32 $0xFFFFD880  }
0x1e: {  	[tilespmem:s4], [sflag:$0x5] =	stream.linear.gather [hbm4b:s8+s4], $0x1C00, $0x38;
	[tilespmem:$0x1F400] =	vst v63  }
0x1f: {  	_ =	swait.ge [sflag:s17], $0x1C00  }
0x20: {  	[sflag:s17] =	ssyncset.done $0x0  }
0x21: {  	s9 =	rddreg [dreg:$0x6];
	[sflag:s17] =	ssyncadd.s32 $0xFFFFE400  }
0x22: {  	[tilespmem:s18], [sflag:$0x5] =	stream.linear.gather [hbm4b:s9+s4], $0x1C00, $0x38;
	[tilespmem:$0x1F400] =	vst v63  }
0x23: {  	_ =	swait.ge [sflag:s17], $0x1C00  }
0x24: {  	[sflag:s17] =	ssyncset.done $0x0  }
0x25: {  	[sflag:s17] =	ssyncadd.s32 $0xFFFFE400  }
0x26: {  	[bflag:$0x0] =	sbarrier.arrive $0xFFFF  }
0x27: {  	[tilespmem:s20], [sflag:$0x1] =	stream.indirect.gather [hbm4b:s2+s19], $0x80, s4, s19, $0xb8;
	[tilespmem:$0x1F400] =	vst v63  }
0x28: {  	_ = 	snop  }
0x29: {  	[tilespmem:s21], [sflag:$0x2] =	stream.indirect.gather [hbm4b:s2+s19], $0x80, s19, s19, $0xb8;
	[tilespmem:$0x1F400] =	vst v63  }
0x2a: {  	_ =	swait.ge [sflag:s22], $0x4000  }
0x2b: {  	[sflag:s22] =	ssyncset.done $0x0  }
0x2c: {  	[sflag:s22] =	ssyncadd.s32 $0xFFFFC000  }
0x2d: {  	[spmem:s3] =	stream.indirect.scatter.add.f32 [tilespmem:s20], [sflag:$0x3], $0x80, s30, s19, $0xb8;
	[tilespmem:$0x1F400] =	vst v63  }
0x2e: {  	_ =	swait.ge [sflag:s23], $0x4000  }
0x2f: {  	[sflag:s23] =	ssyncset.done $0x0  }
0x30: {  	[sflag:s23] =	ssyncadd.s32 $0xFFFFC000  }
0x31: {  	[spmem:s3] =	stream.indirect.scatter.add.f32 [tilespmem:s21], [sflag:$0x4], $0x80, s29, s19, $0xb8;
	[tilespmem:$0x1F400] =	vst v63  }
0x32: {  	_ =	swait.ge [sflag:s24], $0x4000  }
0x33: {  	p0 =	sne.s32 s6, $0x1;
	[sflag:s24] =	ssyncset.done $0x0  }
.Ltmp0:
0x34: {  	[sflag:s24] =	ssyncadd.s32 $0xFFFFC000;
	(pc) =	sbr.rel @!p0 .LBB2_3-.Ltmp0, $4  }
0x35: {  	[tilespmem:s20], [sflag:$0x1] =	stream.indirect.gather [hbm4b:s2+s19], $0x80, s31, s19, $0xb8;
	[tilespmem:$0x1F400] =	vst v63  }
0x36: {  	s28 =	simm.s32 $0x180;
	_ =	swait.ge [sflag:s25], $0x4000  }
0x37: {  	s1 =	simm.s32 $0x280;
	s5 =	simm.s32 $0x1D80;
	[sflag:s25] =	ssyncset.done $0x0  }
0x38: {  	s0 =	sadd.s32 $0xFFFFFFFF, s6;
	s8 =	simm.s32 $0x180;
	[sflag:s25] =	ssyncadd.s32 $0xFFFFC000  }
.LBB2_2:
0x39: {  	[tilespmem:s21], [sflag:$0x2] =	stream.indirect.gather [hbm4b:s2+s19], $0x80, s8, s19, $0xb8;
	[tilespmem:$0x1F400] =	vst v63  }
0x3a: {  	p1 =	sne.s32 s0, $0x1;
	s0 =	sadd.s32 $0xFFFFFFFF, s0;
	_ =	swait.ge [sflag:s22], $0x4000  }
0x3b: {  	s8 =	smov.u32 s1;
	[sflag:s22] =	ssyncset.done $0x0  }
0x3c: {  	s9 =	sadd.s32 $0xFFFFFF80, s5;
	[sflag:s22] =	ssyncadd.s32 $0xFFFFC000  }
0x3d: {  	[spmem:s3] =	stream.indirect.scatter.add.f32 [tilespmem:s20], [sflag:$0x3], $0x80, s9, s19, $0xb8;
	[tilespmem:$0x1F400] =	vst v63  }
0x3e: {  	_ =	swait.ge [sflag:s23], $0x4000  }
0x3f: {  	[sflag:s23] =	ssyncset.done $0x0  }
0x40: {  	[sflag:s23] =	ssyncadd.s32 $0xFFFFC000  }
0x41: {  	[spmem:s3] =	stream.indirect.scatter.add.f32 [tilespmem:s21], [sflag:$0x4], $0x80, s5, s19, $0xb8;
	[tilespmem:$0x1F400] =	vst v63  }
0x42: {  	_ =	swait.ge [sflag:s24], $0x4000  }
0x43: {  	[sflag:s24] =	ssyncset.done $0x0  }
.Ltmp1:
0x44: {  	s9 =	sadd.s32 $0xFFFFFF80, s1;
	[sflag:s24] =	ssyncadd.s32 $0xFFFFC000;
	(pc) =	sbr.rel @p1 .LBB2_2-.Ltmp1, $4  }
0x45: {  	[tilespmem:s20], [sflag:$0x1] =	stream.indirect.gather [hbm4b:s2+s19], $0x80, s9, s19, $0xb8;
	[tilespmem:$0x1F400] =	vst v63  }
0x46: {  	_ =	swait.ge [sflag:s25], $0x4000  }
0x47: {  	[sflag:s25] =	ssyncset.done $0x0  }
0x48: {  	s1 =	sadd.s32 $0x100, s1;
	s5 =	sadd.s32 $0x100, s5;
	[sflag:s25] =	ssyncadd.s32 $0xFFFFC000  }
.LBB2_3:
0x49: {  	[tilespmem:s21], [sflag:$0x2] =	stream.indirect.gather [hbm4b:s2+s19], $0x80, s8, s19, $0xb8;
	[tilespmem:$0x1F400] =	vst v63  }
0x4a: {  	_ =	swait.ge [sflag:s22], $0x4000  }
0x4b: {  	[sflag:s22] =	ssyncset.done $0x0  }
0x4c: {  	[sflag:s22] =	ssyncadd.s32 $0xFFFFC000  }
0x4d: {  	[spmem:s3] =	stream.indirect.scatter.add.f32 [tilespmem:s20], [sflag:$0x3], $0x80, s10, s19, $0xb8;
	[tilespmem:$0x1F400] =	vst v63  }
0x4e: {  	_ =	swait.ge [sflag:s23], $0x4000  }
0x4f: {  	[sflag:s23] =	ssyncset.done $0x0  }
0x50: {  	[sflag:s23] =	ssyncadd.s32 $0xFFFFC000  }
0x51: {  	[spmem:s3] =	stream.indirect.scatter.add.f32 [tilespmem:s21], [sflag:$0x4], $0x80, s11, s19, $0xb8;
	[tilespmem:$0x1F400] =	vst v63  }
0x52: {  	_ =	swait.ge [sflag:s24], $0x4000  }
0x53: {  	[sflag:s24] =	ssyncset.done $0x0  }
0x54: {  	[sflag:s24] =	ssyncadd.s32 $0xFFFFC000  }
0x55: {  	_ =	swait.ge [sflag:s25], $0x4000  }
0x56: {  	[sflag:s25] =	ssyncset.done $0x0  }
0x57: {  	[sflag:s25] =	ssyncadd.s32 $0xFFFFC000  }
0x58: {  	[tilespmem:s4], [sflag:$0x5] =	stream.linear.gather [hbm4b:s12+s4], $0x1C00, $0x38;
	[tilespmem:$0x1F400] =	vst v63  }
0x59: {  	_ =	swait.ge [sflag:s17], $0x1C00  }
0x5a: {  	[sflag:s17] =	ssyncset.done $0x0  }
0x5b: {  	[sflag:s17] =	ssyncadd.s32 $0xFFFFE400  }
0x5c: {  	[tilespmem:s18], [sflag:$0x5] =	stream.linear.gather [hbm4b:s13+s4], $0x1C00, $0x38;
	[tilespmem:$0x1F400] =	vst v63  }
0x5d: {  	_ =	swait.ge [sflag:s17], $0x1C00  }
0x5e: {  	[sflag:s17] =	ssyncset.done $0x0  }
0x5f: {  	[sflag:s17] =	ssyncadd.s32 $0xFFFFE400  }
0x60: {  	[tilespmem:s20], [sflag:$0x1] =	stream.indirect.gather [hbm4b:s2+s19], $0x80, s4, s19, $0xb8;
	[tilespmem:$0x1F400] =	vst v63  }
0x61: {  	_ = 	snop  }
0x62: {  	[tilespmem:s21], [sflag:$0x2] =	stream.indirect.gather [hbm4b:s2+s19], $0x80, s19, s19, $0xb8;
	[tilespmem:$0x1F400] =	vst v63  }
0x63: {  	_ =	swait.ge [sflag:s22], $0x4000  }
0x64: {  	[sflag:s22] =	ssyncset.done $0x0  }
0x65: {  	[sflag:s22] =	ssyncadd.s32 $0xFFFFC000  }
0x66: {  	[spmem:s3] =	stream.indirect.scatter.add.f32 [tilespmem:s20], [sflag:$0x3], $0x80, s30, s19, $0xb8;
	[tilespmem:$0x1F400] =	vst v63  }
0x67: {  	_ =	swait.ge [sflag:s23], $0x4000  }
0x68: {  	[sflag:s23] =	ssyncset.done $0x0  }
0x69: {  	[sflag:s23] =	ssyncadd.s32 $0xFFFFC000  }
0x6a: {  	[spmem:s3] =	stream.indirect.scatter.add.f32 [tilespmem:s21], [sflag:$0x4], $0x80, s29, s19, $0xb8;
	[tilespmem:$0x1F400] =	vst v63  }
0x6b: {  	_ =	swait.ge [sflag:s24], $0x4000  }
0x6c: {  	[sflag:s24] =	ssyncset.done $0x0  }
.Ltmp2:
0x6d: {  	[sflag:s24] =	ssyncadd.s32 $0xFFFFC000;
	(pc) =	sbr.rel @!p0 .LBB2_5-.Ltmp2, $4  }
0x6e: {  	[tilespmem:s20], [sflag:$0x1] =	stream.indirect.gather [hbm4b:s2+s19], $0x80, s31, s19, $0xb8;
	[tilespmem:$0x1F400] =	vst v63  }
0x6f: {  	_ =	swait.ge [sflag:s25], $0x4000  }
0x70: {  	s0 =	sadd.s32 $0xFFFFFFFF, s6;
	[sflag:s25] =	ssyncset.done $0x0  }
0x71: {  	s1 =	simm.s32 $0x280;
	s5 =	simm.s32 $0x1D80;
	[sflag:s25] =	ssyncadd.s32 $0xFFFFC000  }
.LBB2_4:
0x72: {  	[tilespmem:s21], [sflag:$0x2] =	stream.indirect.gather [hbm4b:s2+s19], $0x80, s28, s19, $0xb8;
	[tilespmem:$0x1F400] =	vst v63  }
0x73: {  	p0 =	sne.s32 s0, $0x1;
	s0 =	sadd.s32 $0xFFFFFFFF, s0;
	_ =	swait.ge [sflag:s22], $0x4000  }
0x74: {  	s28 =	smov.u32 s1;
	[sflag:s22] =	ssyncset.done $0x0  }
0x75: {  	s8 =	sadd.s32 $0xFFFFFF80, s5;
	[sflag:s22] =	ssyncadd.s32 $0xFFFFC000  }
0x76: {  	[spmem:s3] =	stream.indirect.scatter.add.f32 [tilespmem:s20], [sflag:$0x3], $0x80, s8, s19, $0xb8;
	[tilespmem:$0x1F400] =	vst v63  }
0x77: {  	_ =	swait.ge [sflag:s23], $0x4000  }
0x78: {  	[sflag:s23] =	ssyncset.done $0x0  }
0x79: {  	[sflag:s23] =	ssyncadd.s32 $0xFFFFC000  }
0x7a: {  	[spmem:s3] =	stream.indirect.scatter.add.f32 [tilespmem:s21], [sflag:$0x4], $0x80, s5, s19, $0xb8;
	[tilespmem:$0x1F400] =	vst v63  }
0x7b: {  	_ =	swait.ge [sflag:s24], $0x4000  }
0x7c: {  	[sflag:s24] =	ssyncset.done $0x0  }
.Ltmp3:
0x7d: {  	s8 =	sadd.s32 $0xFFFFFF80, s1;
	[sflag:s24] =	ssyncadd.s32 $0xFFFFC000;
	(pc) =	sbr.rel @p0 .LBB2_4-.Ltmp3, $4  }
0x7e: {  	[tilespmem:s20], [sflag:$0x1] =	stream.indirect.gather [hbm4b:s2+s19], $0x80, s8, s19, $0xb8;
	[tilespmem:$0x1F400] =	vst v63  }
0x7f: {  	_ =	swait.ge [sflag:s25], $0x4000  }
0x80: {  	[sflag:s25] =	ssyncset.done $0x0  }
0x81: {  	s1 =	sadd.s32 $0x100, s1;
	s5 =	sadd.s32 $0x100, s5;
	[sflag:s25] =	ssyncadd.s32 $0xFFFFC000  }
.LBB2_5:
0x82: {  	[tilespmem:s21], [sflag:$0x2] =	stream.indirect.gather [hbm4b:s2+s19], $0x80, s28, s19, $0xb8;
	[tilespmem:$0x1F400] =	vst v63  }
0x83: {  	_ =	swait.ge [sflag:s22], $0x4000  }
0x84: {  	[sflag:s22] =	ssyncset.done $0x0  }
0x85: {  	[sflag:s22] =	ssyncadd.s32 $0xFFFFC000  }
0x86: {  	[spmem:s3] =	stream.indirect.scatter.add.f32 [tilespmem:s20], [sflag:$0x3], $0x80, s10, s19, $0xb8;
	[tilespmem:$0x1F400] =	vst v63  }
0x87: {  	_ =	swait.ge [sflag:s23], $0x4000  }
0x88: {  	[sflag:s23] =	ssyncset.done $0x0  }
0x89: {  	[sflag:s23] =	ssyncadd.s32 $0xFFFFC000  }
0x8a: {  	[spmem:s3] =	stream.indirect.scatter.add.f32 [tilespmem:s21], [sflag:$0x4], $0x80, s11, s19, $0xb8;
	[tilespmem:$0x1F400] =	vst v63  }
0x8b: {  	_ =	swait.ge [sflag:s24], $0x4000  }
0x8c: {  	[sflag:s24] =	ssyncset.done $0x0  }
0x8d: {  	[sflag:s24] =	ssyncadd.s32 $0xFFFFC000  }
0x8e: {  	_ =	swait.ge [sflag:s25], $0x4000  }
0x8f: {  	s26 =	sadd.s32 $0x1, s26;
	[sflag:s25] =	ssyncset.done $0x0  }
0x90: {  	p0 =	sne.s32 s26, s15;
	[sflag:s25] =	ssyncadd.s32 $0xFFFFC000  }
.Ltmp4:
0x91: {  	[bflag:$0x0] =	sbarrier.arrive $0xFFFF;
	(pc) =	sbr.rel @p0 .LBB2_1-.Ltmp4, $4  }
0x92: {  	[hbm:s14], [sflag:s7] =	dma.local [spmem:s16], $0x2780  }
0x93: {  	_ =	swait.ge [sflag:s17], $0x2780  }
0x94: {  	[sflag:s17] =	ssyncset.done $0x0  }
0x95: {  	[sflag:s17] =	ssyncadd.s32 $0xFFFFD880  }
0x96: {  	_ =	sfence.sel $0x180000  }
0x97: {  	[bflag:$0x0] =	sbarrier.arrive $0xFFFF  }
0x98: {  	_ =	strace $0x90000047  }
0x99: {  	s0 =	stileid.u32;
	[bflag:$0x2] =	sbarrier.arrive $0xFFFF  }
0x9a: {  	p0 =	sne.s32 s0, $0x0;
	s0 =	rddreg [dreg:$0x3]  }
0x9b: {  	s0 =	sadd.s32 @!p0 $0x100000, s0  }
0x9c: {  	[sflag:s0] =	ssyncadd.tile.s32 @!p0 $0x1;
	_ =	shalt  }
.Lfunc_end2:
_tile_overlayer_lowered:
.L_overlay_start_2:
0x9d: {  	(tag) =	ssettag $0x2  }
0x9e: {  	s0 =	rddreg [dreg:$0x0];
	s2 =	stileid.u32  }
0x9f: {  	s1 =	rddreg [dreg:$0x1];
	p0 =	sne.s32 s2, $0x0  }
0xa0: {  	s3 =	rddreg [dreg:$0x2];
	[bflag:$0x3] =	sbarrier.arrive $0xFFFF;
	s2 =	simm.s32 @!p0 $0x1C05  }
0xa1: {  	[timem:s3], [sflag:s2] =	dma.local @!p0 [hbm:s0], s1  }
0xa2: {  	s0 =	simm.s32 @!p0 $0x5  }
0xa3: {  	_ =	swait.ge @!p0 [sflag:s0], s1  }
0xa4: {  	s1 =	ssub.s32 @!p0 $0x0, s1;
	[sflag:s0] =	ssyncset.done @!p0 $0x0  }
0xa5: {  	[sflag:s0] =	ssyncadd.s32 @!p0 s1  }
0xa6: {  	[bflag:$0x3] =	sbarrier.arrive $0xFFFF  }
0xa7: {  	_ =	shalt  }

</sc_bundles>
